<compile_context>
chip_gen: v7x
topology: tpu7x:2x2x1
jax: 0.10.2.dev20260603
libtpu: 0.0.44.dev20260713+nightly
codegen_flags: <defaults>
</compile_context>

<pallas_src>
import jax
import jax.numpy as jnp
from jax import lax
from jax.experimental import pallas as pl
from jax.experimental.pallas import tpu as pltpu
from jax.experimental.pallas import tpu_sc as plsc

N = 10000
NP = 10240
E = 320000
D = 128
NC, NS = 2, 16
NW = NC * NS
CHUNK = 128
NBLK = E // CHUNK
BIG = 79
SMALL = 78
WIN = 40
ROWS_W = NP // NS
ZCH = 128
DEG_W = 16

_mesh = plsc.VectorSubcoreMesh(
    core_axis_name="c", subcore_axis_name="s", num_cores=NC, num_subcores=NS)

_NOTILE = pltpu.CompilerParams(use_tc_tiling_on_sc=False)


def _tile_range(wid):
    start = SMALL * wid + jnp.minimum(wid, NBLK - SMALL * NW)
    is_big = wid < NBLK - SMALL * NW
    return start, is_big


def _deg_body(e3_hbm, deg_hbm, ev, onesv, zerov, deg_sh):
    ci = lax.axis_index("c")
    si = lax.axis_index("s")
    wid = ci * NS + si
    start, is_big = _tile_range(wid)

    @pl.when(is_big)
    def _():
        pltpu.sync_copy(e3_hbm.at[pl.ds(start, BIG)], ev)

    @pl.when(jnp.logical_not(is_big))
    def _():
        pltpu.sync_copy(e3_hbm.at[pl.ds(start, SMALL)], ev.at[pl.ds(0, SMALL)])

    @pl.loop(0, CHUNK)
    def _(r):
        onesv[r, pl.ds(0, DEG_W)] = jnp.ones((DEG_W,), jnp.float32)

    @pl.loop(0, ZCH)
    def _(r):
        zerov[r, pl.ds(0, DEG_W)] = jnp.zeros((DEG_W,), jnp.float32)

    @pl.loop(0, ROWS_W // ZCH)
    def _(k):
        pltpu.sync_copy(zerov, deg_sh.at[pl.ds(si * ROWS_W + k * ZCH, ZCH)])

    plsc.subcore_barrier()

    @pl.loop(0, SMALL)
    def _(j):
        pltpu.sync_copy(onesv, deg_sh.at[ev.at[j, 1]], add=True)

    @pl.when(is_big)
    def _():
        pltpu.sync_copy(onesv, deg_sh.at[ev.at[SMALL, 1]], add=True)

    plsc.subcore_barrier()

    sl = pl.ds(si * ROWS_W, ROWS_W)
    pltpu.sync_copy(deg_sh.at[sl], deg_hbm.at[ci].at[sl])


def _agg_body(e3_hbm, g_hbm, out_hbm, ev, buf0, buf1, acc,
              sem0, sem1, ssem0, ssem1):
    ci = lax.axis_index("c")
    si = lax.axis_index("s")
    wid = ci * NS + si
    start, is_big = _tile_range(wid)

    @pl.loop(0, ZCH)
    def _(r):
        @pl.loop(0, D // 16)
        def _(q):
            buf0[r, pl.ds(q * 16, 16)] = jnp.zeros((16,), jnp.float32)

    @pl.loop(0, ROWS_W // ZCH)
    def _(k):
        pltpu.sync_copy(buf0, acc.at[pl.ds(si * ROWS_W + k * ZCH, ZCH)])

    plsc.subcore_barrier()

    def solo(j):
        pltpu.async_copy(g_hbm.at[ev.at[j, 0]], buf0, sem0).wait()
        pltpu.sync_copy(buf0, acc.at[ev.at[j, 1]], add=True)

    def pairs(a, b):
        npair = (b - a) // 2
        pltpu.async_copy(g_hbm.at[ev.at[a, 0]], buf0, sem0)
        pltpu.async_copy(g_hbm.at[ev.at[a + 1, 0]], buf1, sem1)

        @pl.loop(0, npair)
        def _(p):
            e0 = a + 2 * p
            e1 = e0 + 1
            pltpu.make_async_copy(g_hbm.at[ev.at[e0, 0]], buf0, sem0).wait()
            pltpu.async_copy(buf0, acc.at[ev.at[e0, 1]], ssem0, add=True)
            pltpu.make_async_copy(g_hbm.at[ev.at[e1, 0]], buf1, sem1).wait()
            pltpu.async_copy(buf1, acc.at[ev.at[e1, 1]], ssem1, add=True)

            @pl.when(p < npair - 1)
            def _():
                pltpu.make_async_copy(buf0, acc.at[ev.at[e0, 1]], ssem0).wait()
                pltpu.async_copy(g_hbm.at[ev.at[e0 + 2, 0]], buf0, sem0)
                pltpu.make_async_copy(buf1, acc.at[ev.at[e1, 1]], ssem1).wait()
                pltpu.async_copy(g_hbm.at[ev.at[e1 + 2, 0]], buf1, sem1)

        pltpu.make_async_copy(buf0, acc.at[ev.at[b - 2, 1]], ssem0).wait()
        pltpu.make_async_copy(buf1, acc.at[ev.at[b - 1, 1]], ssem1).wait()

    pltpu.sync_copy(e3_hbm.at[pl.ds(start, WIN)], ev)
    pairs(0, WIN)

    @pl.when(is_big)
    def _():
        pltpu.sync_copy(e3_hbm.at[pl.ds(start + BIG - WIN, WIN)], ev)
        solo(1)
        pairs(2, WIN)

    @pl.when(jnp.logical_not(is_big))
    def _():
        pltpu.sync_copy(e3_hbm.at[pl.ds(start + SMALL - WIN, WIN)], ev)
        pairs(2, WIN)

    plsc.subcore_barrier()

    sl = pl.ds(si * ROWS_W, ROWS_W)
    pltpu.sync_copy(acc.at[sl], out_hbm.at[ci].at[sl])


def _make_sc_kernels(interpret=False):
    deg_k = pl.kernel(
        _deg_body,
        out_type=jax.ShapeDtypeStruct((NC, NP, DEG_W), jnp.float32),
        mesh=_mesh,
        scratch_types=[
            pltpu.VMEM((BIG, 2, CHUNK), jnp.int32),
            pltpu.VMEM((CHUNK, DEG_W), jnp.float32),
            pltpu.VMEM((ZCH, DEG_W), jnp.float32),
            pltpu.VMEM_SHARED((NP, DEG_W), jnp.float32),
        ],
        compiler_params=_NOTILE,
        interpret=interpret,
    )
    agg_k = pl.kernel(
        _agg_body,
        out_type=jax.ShapeDtypeStruct((NC, NP, D), jnp.float32),
        mesh=_mesh,
        scratch_types=[
            pltpu.VMEM((WIN, 2, CHUNK), jnp.int32),
            pltpu.VMEM((ZCH, D), jnp.float32),
            pltpu.VMEM((ZCH, D), jnp.float32),
            pltpu.VMEM_SHARED((NP, D), jnp.float32),
            pltpu.SemaphoreType.DMA,
            pltpu.SemaphoreType.DMA,
            pltpu.SemaphoreType.DMA,
            pltpu.SemaphoreType.DMA,
        ],
        compiler_params=_NOTILE,
        interpret=interpret,
    )
    return deg_k, agg_k


_deg_kernel, _agg_kernel = _make_sc_kernels()


def _dinv_block(deg_ref):
    deg = deg_ref[0, :, 0:1] + deg_ref[1, :, 0:1]
    return jnp.where(deg > 0.0, lax.rsqrt(jnp.maximum(deg, 1.0)), 0.0)


def _scale_body(deg_ref, x_ref, w_ref, g_ref):
    h = jnp.dot(x_ref[...], w_ref[...],
                preferred_element_type=jnp.float32)
    g_ref[...] = _dinv_block(deg_ref) * h


def _out_body(deg_ref, acc_ref, b_ref, o_ref):
    s = acc_ref[0] + acc_ref[1]
    o_ref[...] = jnp.maximum(_dinv_block(deg_ref) * s + b_ref[...], 0.0)


BLK = 1000


def _scale_call(deg, x, W, interpret=False):
    return pl.pallas_call(
        _scale_body,
        grid=(N // BLK,),
        in_specs=[
            pl.BlockSpec((NC, BLK, DEG_W), lambda i: (0, i, 0)),
            pl.BlockSpec((BLK, D), lambda i: (i, 0)),
            pl.BlockSpec((D, D), lambda i: (0, 0)),
        ],
        out_specs=pl.BlockSpec((BLK, D), lambda i: (i, 0)),
        out_shape=jax.ShapeDtypeStruct((N, D), jnp.float32),
        interpret=interpret,
    )(deg, x, W)


def _out_call(deg, acc, b2, interpret=False):
    return pl.pallas_call(
        _out_body,
        grid=(N // BLK,),
        in_specs=[
            pl.BlockSpec((NC, BLK, DEG_W), lambda i: (0, i, 0)),
            pl.BlockSpec((NC, BLK, D), lambda i: (0, i, 0)),
            pl.BlockSpec((1, D), lambda i: (0, 0)),
        ],
        out_specs=pl.BlockSpec((BLK, D), lambda i: (i, 0)),
        out_shape=jax.ShapeDtypeStruct((N, D), jnp.float32),
        interpret=interpret,
    )(deg, acc, b2)


def kernel(x, edge_index, W, b):
    e3 = jnp.transpose(
        edge_index.astype(jnp.int32).reshape(2, NBLK, CHUNK), (1, 0, 2))

    deg = _deg_kernel(e3)
    g = _scale_call(deg, x, W)
    acc = _agg_kernel(e3, g)
    return _out_call(deg, acc, b.reshape(1, D))

# --- scband reference (transcript-rebuilt; emitter-appended) ---
"""Pipeline reference for scband-gcn1-13657996001612 (READ-ONLY COPY).

The authoritative reference and input builder live on the scoring server;
editing this copy changes nothing except your own understanding.
"""

import jax, jax.numpy as jnp
import numpy as np

N_NODES = 10000
N_EDGES = 320000
D_IN = 128
D_OUT = 128


def setup_inputs(seed: int = 0) -> dict:
    key = jax.random.key(seed)
    k1, k2, k3, k4 = jax.random.split(key, 4)
    x = jax.random.normal(k1, (N_NODES, D_IN), dtype=jnp.float32)
    edge_index = jax.random.randint(k2, (2, N_EDGES), 0, N_NODES, dtype=jnp.int64)
    # GCNConv learned parameters (glorot-style init for W, zeros bias like PyG default)
    limit = float(np.sqrt(6.0 / (D_IN + D_OUT)))
    W = jax.random.uniform(k3, (D_IN, D_OUT), dtype=jnp.float32, minval=-limit, maxval=limit)
    b = jnp.zeros((D_OUT,), dtype=jnp.float32)
    return {"x": x, "edge_index": edge_index, "W": W, "b": b}


def reference(x, edge_index, W, b):
    # Faithful GCNConv(add_self_loops=False) forward, followed by ReLU.
    n = x.shape[0]
    row = edge_index[0]  # source nodes
    col = edge_index[1]  # target nodes
    # symmetric normalization: deg computed at target nodes with unit edge weights
    ones = jnp.ones((edge_index.shape[1],), dtype=x.dtype)
    deg = jnp.zeros((n,), dtype=x.dtype).at[col].add(ones)
    deg_inv_sqrt = jnp.where(deg > 0, jax.lax.rsqrt(jnp.where(deg > 0, deg, 1.0)), 0.0)
    norm = deg_inv_sqrt[row] * deg_inv_sqrt[col]
    # linear transform then propagate (gather from source, scatter-add to target)
    h = x @ W
    msg = norm[:, None] * jnp.take(h, row, axis=0)
    out = jnp.zeros((n, W.shape[1]), dtype=x.dtype).at[col].add(msg)
    out = out + b
    return jax.nn.relu(out)

if __name__ == "__main__":
    import jax
    _d = setup_inputs()
    print(jax.jit(kernel)(*tuple(_d.values())))

</pallas_src>

<mosaic_0001>
#map = affine_map<(d0, d1) -> (0, 0, 0)>
module attributes {stable_mosaic.version = 14 : i64} {
  func.func @_deg_body(%arg0: i32, %arg1: i32, %arg2: memref<2500x2x128xi32, #tpu.memory_space<hbm>>, %arg3: memref<2x10240x16xf32, #tpu.memory_space<hbm>>, %arg4: memref<79x2x128xi32, #tpu.memory_space<vmem>>, %arg5: memref<128x16xf32, #tpu.memory_space<vmem>>, %arg6: memref<128x16xf32, #tpu.memory_space<vmem>>, %arg7: memref<10240x16xf32, #tpu.memory_space<vmem_shared>>) attributes {dimension_semantics = [#tpu.dimension_semantics<core_parallel>, #tpu.dimension_semantics<subcore_parallel>], iteration_bounds = array<i64: 2, 16>, scalar_prefetch = 0 : i64, scratch_operands = 4 : i64, tpu.core_type = #tpu.core_type<sc_vector_subcore>, window_params = [{transform_indices = #map}, {transform_indices = #map}]} {
    %mul3A = arith.constant 16 : i32
    %mul3A_0 = arith.muli %arg0, %mul3A : i32
    %add3A = arith.addi %mul3A_0, %arg1 : i32
    %mul3A_1 = arith.constant 78 : i32
    %mul3A_2 = arith.muli %mul3A_1, %add3A : i32
    %min3A = arith.constant 4 : i32
    %min3A_3 = arith.minsi %add3A, %min3A : i32
    %add3A_4 = arith.addi %mul3A_2, %min3A_3 : i32
    %lt3A = arith.constant 4 : i32
    %lt3A_5 = arith.cmpi slt, %add3A, %lt3A : i32
    %convert_element_type3A = arith.extui %lt3A_5 : i1 to i32
    %cond3A = arith.constant 0 : i32
    %cond3A_6 = arith.cmpi ne, %convert_element_type3A, %cond3A : i32
    scf.if %cond3A_6 {
      "tpu.region"() ({
        %run_scoped3A = tpu.sem_alloc : memref<!tpu.dma_semaphore, #tpu.memory_space<semaphore_mem>>
        %dma_start3A = arith.constant 0 : i32
        %dma_start3A_36 = arith.constant 0 : i32
        %dma_start3A_37 = tpu.memref_slice %arg2[%add3A_4, %dma_start3A, %dma_start3A_36] : memref<2500x2x128xi32, #tpu.memory_space<hbm>> -> memref<79x2x128xi32, #tpu.memory_space<hbm>>
        %dma_start3A_38 = arith.constant 0 : i32
        %dma_start3A_39 = arith.constant 0 : i32
        %dma_start3A_40 = tpu.memref_slice %arg2[%add3A_4, %dma_start3A_38, %dma_start3A_39] : memref<2500x2x128xi32, #tpu.memory_space<hbm>> -> memref<79x2x128xi32, #tpu.memory_space<hbm>>
        tpu.enqueue_dma source(%dma_start3A_40 : memref<79x2x128xi32, #tpu.memory_space<hbm>>) target(%arg4 : memref<79x2x128xi32, #tpu.memory_space<vmem>>) target_semaphore(%run_scoped3A : memref<!tpu.dma_semaphore, #tpu.memory_space<semaphore_mem>>)
        %dma_wait3A = arith.constant 0 : i32
        %dma_wait3A_41 = arith.constant 0 : i32
        %dma_wait3A_42 = tpu.memref_slice %arg2[%add3A_4, %dma_wait3A, %dma_wait3A_41] : memref<2500x2x128xi32, #tpu.memory_space<hbm>> -> memref<79x2x128xi32, #tpu.memory_space<hbm>>
        %dma_wait3A_43 = arith.constant 0 : i32
        %dma_wait3A_44 = arith.constant 0 : i32
        %dma_wait3A_45 = tpu.memref_slice %arg2[%add3A_4, %dma_wait3A_43, %dma_wait3A_44] : memref<2500x2x128xi32, #tpu.memory_space<hbm>> -> memref<79x2x128xi32, #tpu.memory_space<hbm>>
        tpu.wait_dma2 semaphore(%run_scoped3A : memref<!tpu.dma_semaphore, #tpu.memory_space<semaphore_mem>>) src(%dma_wait3A_45 : memref<79x2x128xi32, #tpu.memory_space<hbm>>) dst(%arg4 : memref<79x2x128xi32, #tpu.memory_space<vmem>>)
        tpu.yield
      }) : () -> ()
    } else {
    }
    %not3A = arith.constant true
    %not3A_7 = arith.xori %lt3A_5, %not3A : i1
    %convert_element_type3A_8 = arith.extui %not3A_7 : i1 to i32
    %cond3A_9 = arith.constant 0 : i32
    %cond3A_10 = arith.cmpi ne, %convert_element_type3A_8, %cond3A_9 : i32
    scf.if %cond3A_10 {
      "tpu.region"() ({
        %run_scoped3A = tpu.sem_alloc : memref<!tpu.dma_semaphore, #tpu.memory_space<semaphore_mem>>
        %dma_start3A = arith.constant 0 : i32
        %dma_start3A_36 = arith.constant 0 : i32
        %dma_start3A_37 = arith.constant 0 : i32
        %dma_start3A_38 = tpu.memref_slice %arg4[%dma_start3A, %dma_start3A_36, %dma_start3A_37] : memref<79x2x128xi32, #tpu.memory_space<vmem>> -> memref<78x2x128xi32, #tpu.memory_space<vmem>>
        %dma_start3A_39 = arith.constant 0 : i32
        %dma_start3A_40 = arith.constant 0 : i32
        %dma_start3A_41 = tpu.memref_slice %arg2[%add3A_4, %dma_start3A_39, %dma_start3A_40] : memref<2500x2x128xi32, #tpu.memory_space<hbm>> -> memref<78x2x128xi32, #tpu.memory_space<hbm>>
        %dma_start3A_42 = arith.constant 0 : i32
        %dma_start3A_43 = arith.constant 0 : i32
        %dma_start3A_44 = arith.constant 0 : i32
        %dma_start3A_45 = tpu.memref_slice %arg4[%dma_start3A_42, %dma_start3A_43, %dma_start3A_44] : memref<79x2x128xi32, #tpu.memory_space<vmem>> -> memref<78x2x128xi32, #tpu.memory_space<vmem>>
        %dma_start3A_46 = arith.constant 0 : i32
        %dma_start3A_47 = arith.constant 0 : i32
        %dma_start3A_48 = tpu.memref_slice %arg2[%add3A_4, %dma_start3A_46, %dma_start3A_47] : memref<2500x2x128xi32, #tpu.memory_space<hbm>> -> memref<78x2x128xi32, #tpu.memory_space<hbm>>
        tpu.enqueue_dma source(%dma_start3A_48 : memref<78x2x128xi32, #tpu.memory_space<hbm>>) target(%dma_start3A_45 : memref<78x2x128xi32, #tpu.memory_space<vmem>>) target_semaphore(%run_scoped3A : memref<!tpu.dma_semaphore, #tpu.memory_space<semaphore_mem>>)
        %dma_wait3A = arith.constant 0 : i32
        %dma_wait3A_49 = arith.constant 0 : i32
        %dma_wait3A_50 = arith.constant 0 : i32
        %dma_wait3A_51 = tpu.memref_slice %arg4[%dma_wait3A, %dma_wait3A_49, %dma_wait3A_50] : memref<79x2x128xi32, #tpu.memory_space<vmem>> -> memref<78x2x128xi32, #tpu.memory_space<vmem>>
        %dma_wait3A_52 = arith.constant 0 : i32
        %dma_wait3A_53 = arith.constant 0 : i32
        %dma_wait3A_54 = tpu.memref_slice %arg2[%add3A_4, %dma_wait3A_52, %dma_wait3A_53] : memref<2500x2x128xi32, #tpu.memory_space<hbm>> -> memref<78x2x128xi32, #tpu.memory_space<hbm>>
        %dma_wait3A_55 = arith.constant 0 : i32
        %dma_wait3A_56 = arith.constant 0 : i32
        %dma_wait3A_57 = arith.constant 0 : i32
        %dma_wait3A_58 = tpu.memref_slice %arg4[%dma_wait3A_55, %dma_wait3A_56, %dma_wait3A_57] : memref<79x2x128xi32, #tpu.memory_space<vmem>> -> memref<78x2x128xi32, #tpu.memory_space<vmem>>
        %dma_wait3A_59 = arith.constant 0 : i32
        %dma_wait3A_60 = arith.constant 0 : i32
        %dma_wait3A_61 = tpu.memref_slice %arg2[%add3A_4, %dma_wait3A_59, %dma_wait3A_60] : memref<2500x2x128xi32, #tpu.memory_space<hbm>> -> memref<78x2x128xi32, #tpu.memory_space<hbm>>
        tpu.wait_dma2 semaphore(%run_scoped3A : memref<!tpu.dma_semaphore, #tpu.memory_space<semaphore_mem>>) src(%dma_wait3A_61 : memref<78x2x128xi32, #tpu.memory_space<hbm>>) dst(%dma_wait3A_58 : memref<78x2x128xi32, #tpu.memory_space<vmem>>)
        tpu.yield
      }) : () -> ()
    } else {
    }
    %scan3A = arith.constant 0 : i32
    %scan3A_11 = arith.constant 128 : i32
    %scan3A_12 = arith.addi %scan3A, %scan3A_11 : i32
    %scan3A_13 = arith.constant 1 : i32
    scf.for %scan3A_36 = %scan3A to %scan3A_12 step %scan3A_13  : i32 {
      %mul3A_37 = arith.constant 1 : i32
      %mul3A_38 = arith.muli %scan3A_36, %mul3A_37 : i32
      %add3A_39 = arith.constant 0 : i32
      %add3A_40 = arith.addi %add3A_39, %mul3A_38 : i32
      %broadcast_in_dim3A = arith.constant 1.000000e+00 : f32
      %broadcast_in_dim3A_41 = vector.broadcast %broadcast_in_dim3A : f32 to vector<16xf32>
      %swap3A = arith.index_cast %add3A_40 : i32 to index
      %swap3A_42 = arith.constant 0 : index
      %swap3A_43 = tpu.vector_load %arg5[%swap3A, %swap3A_42] {strides = array<i32>} : memref<128x16xf32, #tpu.memory_space<vmem>>, vector<1x16xf32>,
      %swap3A_44 = vector.shape_cast %swap3A_43 : vector<1x16xf32> to vector<16xf32>
      %swap3A_45 = vector.shape_cast %broadcast_in_dim3A_41 : vector<16xf32> to vector<1x16xf32>
      tpu.vector_store %arg5[%swap3A, %swap3A_42], %swap3A_45 {strides = array<i32>} : memref<128x16xf32, #tpu.memory_space<vmem>>, vector<1x16xf32>,
    }
    %scan3A_14 = arith.constant 128 : i32
    %scan3A_15 = arith.constant 0 : i32
    %scan3A_16 = arith.constant 128 : i32
    %scan3A_17 = arith.addi %scan3A_15, %scan3A_16 : i32
    %scan3A_18 = arith.constant 1 : i32
    scf.for %scan3A_36 = %scan3A_15 to %scan3A_17 step %scan3A_18  : i32 {
      %mul3A_37 = arith.constant 1 : i32
      %mul3A_38 = arith.muli %scan3A_36, %mul3A_37 : i32
      %add3A_39 = arith.constant 0 : i32
      %add3A_40 = arith.addi %add3A_39, %mul3A_38 : i32
      %broadcast_in_dim3A = arith.constant 0.000000e+00 : f32
      %broadcast_in_dim3A_41 = vector.broadcast %broadcast_in_dim3A : f32 to vector<16xf32>
      %swap3A = arith.index_cast %add3A_40 : i32 to index
      %swap3A_42 = arith.constant 0 : index
      %swap3A_43 = tpu.vector_load %arg6[%swap3A, %swap3A_42] {strides = array<i32>} : memref<128x16xf32, #tpu.memory_space<vmem>>, vector<1x16xf32>,
      %swap3A_44 = vector.shape_cast %swap3A_43 : vector<1x16xf32> to vector<16xf32>
      %swap3A_45 = vector.shape_cast %broadcast_in_dim3A_41 : vector<16xf32> to vector<1x16xf32>
      tpu.vector_store %arg6[%swap3A, %swap3A_42], %swap3A_45 {strides = array<i32>} : memref<128x16xf32, #tpu.memory_space<vmem>>, vector<1x16xf32>,
    }
    %scan3A_19 = arith.constant 128 : i32
    %scan3A_20 = arith.constant 0 : i32
    %scan3A_21 = arith.constant 5 : i32
    %scan3A_22 = arith.addi %scan3A_20, %scan3A_21 : i32
    %scan3A_23 = arith.constant 1 : i32
    scf.for %scan3A_36 = %scan3A_20 to %scan3A_22 step %scan3A_23  : i32 {
      %mul3A_37 = arith.constant 1 : i32
      %mul3A_38 = arith.muli %scan3A_36, %mul3A_37 : i32
      %add3A_39 = arith.constant 0 : i32
      %add3A_40 = arith.addi %add3A_39, %mul3A_38 : i32
      %mul3A_41 = arith.constant 640 : i32
      %mul3A_42 = arith.muli %arg1, %mul3A_41 : i32
      %mul3A_43 = arith.constant 128 : i32
      %mul3A_44 = arith.muli %add3A_40, %mul3A_43 : i32
      %add3A_45 = arith.addi %mul3A_42, %mul3A_44 : i32
      "tpu.region"() ({
        %run_scoped3A = tpu.sem_alloc : memref<!tpu.dma_semaphore, #tpu.memory_space<semaphore_mem>>
        %dma_start3A = arith.constant 0 : i32
        %dma_start3A_46 = tpu.memref_slice %arg7[%add3A_45, %dma_start3A] : memref<10240x16xf32, #tpu.memory_space<vmem_shared>> -> memref<128x16xf32, #tpu.memory_space<vmem_shared>>
        %dma_start3A_47 = arith.constant 0 : i32
        %dma_start3A_48 = tpu.memref_slice %arg7[%add3A_45, %dma_start3A_47] : memref<10240x16xf32, #tpu.memory_space<vmem_shared>> -> memref<128x16xf32, #tpu.memory_space<vmem_shared>>
        tpu.enqueue_dma source(%arg6 : memref<128x16xf32, #tpu.memory_space<vmem>>) target(%dma_start3A_48 : memref<128x16xf32, #tpu.memory_space<vmem_shared>>) target_semaphore(%run_scoped3A : memref<!tpu.dma_semaphore, #tpu.memory_space<semaphore_mem>>)
        %dma_wait3A = arith.constant 0 : i32
        %dma_wait3A_49 = tpu.memref_slice %arg7[%add3A_45, %dma_wait3A] : memref<10240x16xf32, #tpu.memory_space<vmem_shared>> -> memref<128x16xf32, #tpu.memory_space<vmem_shared>>
        %dma_wait3A_50 = arith.constant 0 : i32
        %dma_wait3A_51 = tpu.memref_slice %arg7[%add3A_45, %dma_wait3A_50] : memref<10240x16xf32, #tpu.memory_space<vmem_shared>> -> memref<128x16xf32, #tpu.memory_space<vmem_shared>>
        tpu.wait_dma2 semaphore(%run_scoped3A : memref<!tpu.dma_semaphore, #tpu.memory_space<semaphore_mem>>) src(%arg6 : memref<128x16xf32, #tpu.memory_space<vmem>>) dst(%dma_wait3A_51 : memref<128x16xf32, #tpu.memory_space<vmem_shared>>)
        tpu.yield
      }) : () -> ()
    }
    %scan3A_24 = arith.constant 5 : i32
    %barrier3A = arith.constant 0 : index
    tpu.barrier barrier_id(%barrier3A)
    %scan3A_25 = arith.constant 0 : i32
    %scan3A_26 = arith.constant 78 : i32
    %scan3A_27 = arith.addi %scan3A_25, %scan3A_26 : i32
    %scan3A_28 = arith.constant 1 : i32
    scf.for %scan3A_36 = %scan3A_25 to %scan3A_27 step %scan3A_28  : i32 {
      %mul3A_37 = arith.constant 1 : i32
      %mul3A_38 = arith.muli %scan3A_36, %mul3A_37 : i32
      %add3A_39 = arith.constant 0 : i32
      %add3A_40 = arith.addi %add3A_39, %mul3A_38 : i32
      %run_scoped3A = arith.constant 1 : i32
      "tpu.region"() ({
        %run_scoped3A_41 = tpu.sem_alloc : memref<!tpu.dma_semaphore, #tpu.memory_space<semaphore_mem>>
        %dma_start3A = arith.constant 0 : i32
        %dma_start3A_42 = tpu.memref_slice %arg4[%add3A_40, %run_scoped3A, %dma_start3A] : memref<79x2x128xi32, #tpu.memory_space<vmem>> -> memref<1x1x128xi32, #tpu.memory_space<vmem>>
        %dma_start3A_43 = tpu.memref_squeeze %dma_start3A_42 : memref<1x1x128xi32, #tpu.memory_space<vmem>> -> memref<128xi32, #tpu.memory_space<vmem>>
        %dma_start3A_44 = arith.constant 0 : i32
        %dma_start3A_45 = arith.constant 0 : i32
        %dma_start3A_46 = tpu.memref_slice %arg7[%dma_start3A_44, %dma_start3A_45] : memref<10240x16xf32, #tpu.memory_space<vmem_shared>> -> memref<10240x16xf32, #tpu.memory_space<vmem_shared>>
        tpu.enqueue_indirect_dma source(%arg5 : memref<128x16xf32, #tpu.memory_space<vmem>>) target(%dma_start3A_46 : memref<10240x16xf32, #tpu.memory_space<vmem_shared>>) offsets(%dma_start3A_43 : memref<128xi32, #tpu.memory_space<vmem>>) semaphore(%run_scoped3A_41 : memref<!tpu.dma_semaphore, #tpu.memory_space<semaphore_mem>>) {add = true}
        %dma_wait3A = arith.constant 0 : i32
        %dma_wait3A_47 = tpu.memref_slice %arg4[%add3A_40, %run_scoped3A, %dma_wait3A] : memref<79x2x128xi32, #tpu.memory_space<vmem>> -> memref<1x1x128xi32, #tpu.memory_space<vmem>>
        %dma_wait3A_48 = tpu.memref_squeeze %dma_wait3A_47 : memref<1x1x128xi32, #tpu.memory_space<vmem>> -> memref<128xi32, #tpu.memory_space<vmem>>
        %dma_wait3A_49 = arith.constant 0 : i32
        %dma_wait3A_50 = arith.constant 0 : i32
        %dma_wait3A_51 = tpu.memref_slice %arg7[%dma_wait3A_49, %dma_wait3A_50] : memref<10240x16xf32, #tpu.memory_space<vmem_shared>> -> memref<10240x16xf32, #tpu.memory_space<vmem_shared>>
        tpu.wait_indirect_dma semaphore(%run_scoped3A_41 : memref<!tpu.dma_semaphore, #tpu.memory_space<semaphore_mem>>) src(%arg5 : memref<128x16xf32, #tpu.memory_space<vmem>>) dst(%dma_wait3A_51 : memref<10240x16xf32, #tpu.memory_space<vmem_shared>>)
        tpu.yield
      }) : () -> ()
    }
    %scan3A_29 = arith.constant 78 : i32
    %convert_element_type3A_30 = arith.extui %lt3A_5 : i1 to i32
    %cond3A_31 = arith.constant 0 : i32
    %cond3A_32 = arith.cmpi ne, %convert_element_type3A_30, %cond3A_31 : i32
    scf.if %cond3A_32 {
      %run_scoped3A = arith.constant 78 : i32
      %run_scoped3A_36 = arith.constant 1 : i32
      "tpu.region"() ({
        %run_scoped3A_37 = tpu.sem_alloc : memref<!tpu.dma_semaphore, #tpu.memory_space<semaphore_mem>>
        %dma_start3A = arith.constant 0 : i32
        %dma_start3A_38 = tpu.memref_slice %arg4[%run_scoped3A, %run_scoped3A_36, %dma_start3A] : memref<79x2x128xi32, #tpu.memory_space<vmem>> -> memref<1x1x128xi32, #tpu.memory_space<vmem>>
        %dma_start3A_39 = tpu.memref_squeeze %dma_start3A_38 : memref<1x1x128xi32, #tpu.memory_space<vmem>> -> memref<128xi32, #tpu.memory_space<vmem>>
        %dma_start3A_40 = arith.constant 0 : i32
        %dma_start3A_41 = arith.constant 0 : i32
        %dma_start3A_42 = tpu.memref_slice %arg7[%dma_start3A_40, %dma_start3A_41] : memref<10240x16xf32, #tpu.memory_space<vmem_shared>> -> memref<10240x16xf32, #tpu.memory_space<vmem_shared>>
        tpu.enqueue_indirect_dma source(%arg5 : memref<128x16xf32, #tpu.memory_space<vmem>>) target(%dma_start3A_42 : memref<10240x16xf32, #tpu.memory_space<vmem_shared>>) offsets(%dma_start3A_39 : memref<128xi32, #tpu.memory_space<vmem>>) semaphore(%run_scoped3A_37 : memref<!tpu.dma_semaphore, #tpu.memory_space<semaphore_mem>>) {add = true}
        %dma_wait3A = arith.constant 0 : i32
        %dma_wait3A_43 = tpu.memref_slice %arg4[%run_scoped3A, %run_scoped3A_36, %dma_wait3A] : memref<79x2x128xi32, #tpu.memory_space<vmem>> -> memref<1x1x128xi32, #tpu.memory_space<vmem>>
        %dma_wait3A_44 = tpu.memref_squeeze %dma_wait3A_43 : memref<1x1x128xi32, #tpu.memory_space<vmem>> -> memref<128xi32, #tpu.memory_space<vmem>>
        %dma_wait3A_45 = arith.constant 0 : i32
        %dma_wait3A_46 = arith.constant 0 : i32
        %dma_wait3A_47 = tpu.memref_slice %arg7[%dma_wait3A_45, %dma_wait3A_46] : memref<10240x16xf32, #tpu.memory_space<vmem_shared>> -> memref<10240x16xf32, #tpu.memory_space<vmem_shared>>
        tpu.wait_indirect_dma semaphore(%run_scoped3A_37 : memref<!tpu.dma_semaphore, #tpu.memory_space<semaphore_mem>>) src(%arg5 : memref<128x16xf32, #tpu.memory_space<vmem>>) dst(%dma_wait3A_47 : memref<10240x16xf32, #tpu.memory_space<vmem_shared>>)
        tpu.yield
      }) : () -> ()
    } else {
    }
    %barrier3A_33 = arith.constant 0 : index
    tpu.barrier barrier_id(%barrier3A_33)
    %mul3A_34 = arith.constant 640 : i32
    %mul3A_35 = arith.muli %arg1, %mul3A_34 : i32
    "tpu.region"() ({
      %run_scoped3A = tpu.sem_alloc : memref<!tpu.dma_semaphore, #tpu.memory_space<semaphore_mem>>
      %dma_start3A = arith.constant 0 : i32
      %dma_start3A_36 = arith.constant 0 : i32
      %dma_start3A_37 = tpu.memref_slice %arg3[%arg0, %dma_start3A, %dma_start3A_36] : memref<2x10240x16xf32, #tpu.memory_space<hbm>> -> memref<1x10240x16xf32, #tpu.memory_space<hbm>>
      %dma_start3A_38 = tpu.memref_squeeze %dma_start3A_37 : memref<1x10240x16xf32, #tpu.memory_space<hbm>> -> memref<10240x16xf32, #tpu.memory_space<hbm>>
      %dma_start3A_39 = arith.constant 0 : i32
      %dma_start3A_40 = tpu.memref_slice %dma_start3A_38[%mul3A_35, %dma_start3A_39] : memref<10240x16xf32, #tpu.memory_space<hbm>> -> memref<640x16xf32, #tpu.memory_space<hbm>>
      %dma_start3A_41 = arith.constant 0 : i32
      %dma_start3A_42 = tpu.memref_slice %arg7[%mul3A_35, %dma_start3A_41] : memref<10240x16xf32, #tpu.memory_space<vmem_shared>> -> memref<640x16xf32, #tpu.memory_space<vmem_shared>>
      tpu.enqueue_dma source(%dma_start3A_42 : memref<640x16xf32, #tpu.memory_space<vmem_shared>>) target(%dma_start3A_40 : memref<640x16xf32, #tpu.memory_space<hbm>>) target_semaphore(%run_scoped3A : memref<!tpu.dma_semaphore, #tpu.memory_space<semaphore_mem>>)
      %dma_wait3A = arith.constant 0 : i32
      %dma_wait3A_43 = arith.constant 0 : i32
      %dma_wait3A_44 = tpu.memref_slice %arg3[%arg0, %dma_wait3A, %dma_wait3A_43] : memref<2x10240x16xf32, #tpu.memory_space<hbm>> -> memref<1x10240x16xf32, #tpu.memory_space<hbm>>
      %dma_wait3A_45 = tpu.memref_squeeze %dma_wait3A_44 : memref<1x10240x16xf32, #tpu.memory_space<hbm>> -> memref<10240x16xf32, #tpu.memory_space<hbm>>
      %dma_wait3A_46 = arith.constant 0 : i32
      %dma_wait3A_47 = tpu.memref_slice %dma_wait3A_45[%mul3A_35, %dma_wait3A_46] : memref<10240x16xf32, #tpu.memory_space<hbm>> -> memref<640x16xf32, #tpu.memory_space<hbm>>
      %dma_wait3A_48 = arith.constant 0 : i32
      %dma_wait3A_49 = tpu.memref_slice %arg7[%mul3A_35, %dma_wait3A_48] : memref<10240x16xf32, #tpu.memory_space<vmem_shared>> -> memref<640x16xf32, #tpu.memory_space<vmem_shared>>
      tpu.wait_dma2 semaphore(%run_scoped3A : memref<!tpu.dma_semaphore, #tpu.memory_space<semaphore_mem>>) src(%dma_wait3A_49 : memref<640x16xf32, #tpu.memory_space<vmem_shared>>) dst(%dma_wait3A_47 : memref<640x16xf32, #tpu.memory_space<hbm>>)
      tpu.yield
    }) : () -> ()
    return
  }
}

#map = affine_map<(d0, d1) -> (0, 0, 0)>
#map1 = affine_map<(d0, d1) -> (0, 0)>
module attributes {stable_mosaic.version = 14 : i64} {
  func.func @_agg_body(%arg0: i32, %arg1: i32, %arg2: memref<2500x2x128xi32, #tpu.memory_space<hbm>>, %arg3: memref<10000x128xf32, #tpu.memory_space<hbm>>, %arg4: memref<2x10240x128xf32, #tpu.memory_space<hbm>>, %arg5: memref<40x2x128xi32, #tpu.memory_space<vmem>>, %arg6: memref<128x128xf32, #tpu.memory_space<vmem>>, %arg7: memref<128x128xf32, #tpu.memory_space<vmem>>, %arg8: memref<10240x128xf32, #tpu.memory_space<vmem_shared>>, %arg9: memref<!tpu.dma_semaphore, #tpu.memory_space<semaphore_mem>>, %arg10: memref<!tpu.dma_semaphore, #tpu.memory_space<semaphore_mem>>, %arg11: memref<!tpu.dma_semaphore, #tpu.memory_space<semaphore_mem>>, %arg12: memref<!tpu.dma_semaphore, #tpu.memory_space<semaphore_mem>>) attributes {dimension_semantics = [#tpu.dimension_semantics<core_parallel>, #tpu.dimension_semantics<subcore_parallel>], iteration_bounds = array<i64: 2, 16>, scalar_prefetch = 0 : i64, scratch_operands = 8 : i64, tpu.core_type = #tpu.core_type<sc_vector_subcore>, window_params = [{transform_indices = #map}, {transform_indices = #map1}, {transform_indices = #map}]} {
    %mul3A = arith.constant 16 : i32
    %mul3A_0 = arith.muli %arg0, %mul3A : i32
    %add3A = arith.addi %mul3A_0, %arg1 : i32
    %mul3A_1 = arith.constant 78 : i32
    %mul3A_2 = arith.muli %mul3A_1, %add3A : i32
    %min3A = arith.constant 4 : i32
    %min3A_3 = arith.minsi %add3A, %min3A : i32
    %add3A_4 = arith.addi %mul3A_2, %min3A_3 : i32
    %lt3A = arith.constant 4 : i32
    %lt3A_5 = arith.cmpi slt, %add3A, %lt3A : i32
    %scan3A = arith.constant 0 : i32
    %scan3A_6 = arith.constant 128 : i32
    %scan3A_7 = arith.addi %scan3A, %scan3A_6 : i32
    %scan3A_8 = arith.constant 1 : i32
    scf.for %scan3A_58 = %scan3A to %scan3A_7 step %scan3A_8  : i32 {
      %mul3A_59 = arith.constant 1 : i32
      %mul3A_60 = arith.muli %scan3A_58, %mul3A_59 : i32
      %add3A_61 = arith.constant 0 : i32
      %add3A_62 = arith.addi %add3A_61, %mul3A_60 : i32
      %scan3A_63 = arith.constant 0 : i32
      %scan3A_64 = arith.constant 8 : i32
      %scan3A_65 = arith.addi %scan3A_63, %scan3A_64 : i32
      %scan3A_66 = arith.constant 1 : i32
      scf.for %scan3A_68 = %scan3A_63 to %scan3A_65 step %scan3A_66  : i32 {
        %mul3A_69 = arith.constant 1 : i32
        %mul3A_70 = arith.muli %scan3A_68, %mul3A_69 : i32
        %add3A_71 = arith.constant 0 : i32
        %add3A_72 = arith.addi %add3A_71, %mul3A_70 : i32
        %broadcast_in_dim3A = arith.constant 0.000000e+00 : f32
        %broadcast_in_dim3A_73 = vector.broadcast %broadcast_in_dim3A : f32 to vector<16xf32>
        %mul3A_74 = arith.constant 16 : i32
        %mul3A_75 = arith.muli %add3A_72, %mul3A_74 : i32
        %swap3A = arith.index_cast %add3A_62 : i32 to index
        %swap3A_76 = arith.index_cast %mul3A_75 : i32 to index
        %swap3A_77 = tpu.vector_load %arg6[%swap3A, %swap3A_76] {strides = array<i32>} : memref<128x128xf32, #tpu.memory_space<vmem>>, vector<1x16xf32>,
        %swap3A_78 = vector.shape_cast %swap3A_77 : vector<1x16xf32> to vector<16xf32>
        %swap3A_79 = vector.shape_cast %broadcast_in_dim3A_73 : vector<16xf32> to vector<1x16xf32>
        tpu.vector_store %arg6[%swap3A, %swap3A_76], %swap3A_79 {strides = array<i32>} : memref<128x128xf32, #tpu.memory_space<vmem>>, vector<1x16xf32>,
      }
      %scan3A_67 = arith.constant 8 : i32
    }
    %scan3A_9 = arith.constant 128 : i32
    %scan3A_10 = arith.constant 0 : i32
    %scan3A_11 = arith.constant 5 : i32
    %scan3A_12 = arith.addi %scan3A_10, %scan3A_11 : i32
    %scan3A_13 = arith.constant 1 : i32
    scf.for %scan3A_58 = %scan3A_10 to %scan3A_12 step %scan3A_13  : i32 {
      %mul3A_59 = arith.constant 1 : i32
      %mul3A_60 = arith.muli %scan3A_58, %mul3A_59 : i32
      %add3A_61 = arith.constant 0 : i32
      %add3A_62 = arith.addi %add3A_61, %mul3A_60 : i32
      %mul3A_63 = arith.constant 640 : i32
      %mul3A_64 = arith.muli %arg1, %mul3A_63 : i32
      %mul3A_65 = arith.constant 128 : i32
      %mul3A_66 = arith.muli %add3A_62, %mul3A_65 : i32
      %add3A_67 = arith.addi %mul3A_64, %mul3A_66 : i32
      "tpu.region"() ({
        %run_scoped3A = tpu.sem_alloc : memref<!tpu.dma_semaphore, #tpu.memory_space<semaphore_mem>>
        %dma_start3A_68 = arith.constant 0 : i32
        %dma_start3A_69 = tpu.memref_slice %arg8[%add3A_67, %dma_start3A_68] : memref<10240x128xf32, #tpu.memory_space<vmem_shared>> -> memref<128x128xf32, #tpu.memory_space<vmem_shared>>
        %dma_start3A_70 = arith.constant 0 : i32
        %dma_start3A_71 = tpu.memref_slice %arg8[%add3A_67, %dma_start3A_70] : memref<10240x128xf32, #tpu.memory_space<vmem_shared>> -> memref<128x128xf32, #tpu.memory_space<vmem_shared>>
        tpu.enqueue_dma source(%arg6 : memref<128x128xf32, #tpu.memory_space<vmem>>) target(%dma_start3A_71 : memref<128x128xf32, #tpu.memory_space<vmem_shared>>) target_semaphore(%run_scoped3A : memref<!tpu.dma_semaphore, #tpu.memory_space<semaphore_mem>>)
        %dma_wait3A_72 = arith.constant 0 : i32
        %dma_wait3A_73 = tpu.memref_slice %arg8[%add3A_67, %dma_wait3A_72] : memref<10240x128xf32, #tpu.memory_space<vmem_shared>> -> memref<128x128xf32, #tpu.memory_space<vmem_shared>>
        %dma_wait3A_74 = arith.constant 0 : i32
        %dma_wait3A_75 = tpu.memref_slice %arg8[%add3A_67, %dma_wait3A_74] : memref<10240x128xf32, #tpu.memory_space<vmem_shared>> -> memref<128x128xf32, #tpu.memory_space<vmem_shared>>
        tpu.wait_dma2 semaphore(%run_scoped3A : memref<!tpu.dma_semaphore, #tpu.memory_space<semaphore_mem>>) src(%arg6 : memref<128x128xf32, #tpu.memory_space<vmem>>) dst(%dma_wait3A_75 : memref<128x128xf32, #tpu.memory_space<vmem_shared>>)
        tpu.yield
      }) : () -> ()
    }
    %scan3A_14 = arith.constant 5 : i32
    %barrier3A = arith.constant 0 : index
    tpu.barrier barrier_id(%barrier3A)
    "tpu.region"() ({
      %run_scoped3A = tpu.sem_alloc : memref<!tpu.dma_semaphore, #tpu.memory_space<semaphore_mem>>
      %dma_start3A_58 = arith.constant 0 : i32
      %dma_start3A_59 = arith.constant 0 : i32
      %dma_start3A_60 = tpu.memref_slice %arg2[%add3A_4, %dma_start3A_58, %dma_start3A_59] : memref<2500x2x128xi32, #tpu.memory_space<hbm>> -> memref<40x2x128xi32, #tpu.memory_space<hbm>>
      %dma_start3A_61 = arith.constant 0 : i32
      %dma_start3A_62 = arith.constant 0 : i32
      %dma_start3A_63 = tpu.memref_slice %arg2[%add3A_4, %dma_start3A_61, %dma_start3A_62] : memref<2500x2x128xi32, #tpu.memory_space<hbm>> -> memref<40x2x128xi32, #tpu.memory_space<hbm>>
      tpu.enqueue_dma source(%dma_start3A_63 : memref<40x2x128xi32, #tpu.memory_space<hbm>>) target(%arg5 : memref<40x2x128xi32, #tpu.memory_space<vmem>>) target_semaphore(%run_scoped3A : memref<!tpu.dma_semaphore, #tpu.memory_space<semaphore_mem>>)
      %dma_wait3A_64 = arith.constant 0 : i32
      %dma_wait3A_65 = arith.constant 0 : i32
      %dma_wait3A_66 = tpu.memref_slice %arg2[%add3A_4, %dma_wait3A_64, %dma_wait3A_65] : memref<2500x2x128xi32, #tpu.memory_space<hbm>> -> memref<40x2x128xi32, #tpu.memory_space<hbm>>
      %dma_wait3A_67 = arith.constant 0 : i32
      %dma_wait3A_68 = arith.constant 0 : i32
      %dma_wait3A_69 = tpu.memref_slice %arg2[%add3A_4, %dma_wait3A_67, %dma_wait3A_68] : memref<2500x2x128xi32, #tpu.memory_space<hbm>> -> memref<40x2x128xi32, #tpu.memory_space<hbm>>
      tpu.wait_dma2 semaphore(%run_scoped3A : memref<!tpu.dma_semaphore, #tpu.memory_space<semaphore_mem>>) src(%dma_wait3A_69 : memref<40x2x128xi32, #tpu.memory_space<hbm>>) dst(%arg5 : memref<40x2x128xi32, #tpu.memory_space<vmem>>)
      tpu.yield
    }) : () -> ()
    %dma_start3A = arith.constant 0 : i32
    %dma_start3A_15 = arith.constant 0 : i32
    %dma_start3A_16 = arith.constant 0 : i32
    %dma_start3A_17 = tpu.memref_slice %arg5[%dma_start3A, %dma_start3A_15, %dma_start3A_16] : memref<40x2x128xi32, #tpu.memory_space<vmem>> -> memref<1x1x128xi32, #tpu.memory_space<vmem>>
    %dma_start3A_18 = tpu.memref_squeeze %dma_start3A_17 : memref<1x1x128xi32, #tpu.memory_space<vmem>> -> memref<128xi32, #tpu.memory_space<vmem>>
    %dma_start3A_19 = arith.constant 0 : i32
    %dma_start3A_20 = arith.constant 0 : i32
    %dma_start3A_21 = tpu.memref_slice %arg3[%dma_start3A_19, %dma_start3A_20] : memref<10000x128xf32, #tpu.memory_space<hbm>> -> memref<10000x128xf32, #tpu.memory_space<hbm>>
    tpu.enqueue_indirect_dma source(%dma_start3A_21 : memref<10000x128xf32, #tpu.memory_space<hbm>>) target(%arg6 : memref<128x128xf32, #tpu.memory_space<vmem>>) offsets(%dma_start3A_18 : memref<128xi32, #tpu.memory_space<vmem>>) semaphore(%arg9 : memref<!tpu.dma_semaphore, #tpu.memory_space<semaphore_mem>>)
    %dma_start3A_22 = arith.constant 1 : i32
    %dma_start3A_23 = arith.constant 0 : i32
    %dma_start3A_24 = arith.constant 0 : i32
    %dma_start3A_25 = tpu.memref_slice %arg5[%dma_start3A_22, %dma_start3A_23, %dma_start3A_24] : memref<40x2x128xi32, #tpu.memory_space<vmem>> -> memref<1x1x128xi32, #tpu.memory_space<vmem>>
    %dma_start3A_26 = tpu.memref_squeeze %dma_start3A_25 : memref<1x1x128xi32, #tpu.memory_space<vmem>> -> memref<128xi32, #tpu.memory_space<vmem>>
    %dma_start3A_27 = arith.constant 0 : i32
    %dma_start3A_28 = arith.constant 0 : i32
    %dma_start3A_29 = tpu.memref_slice %arg3[%dma_start3A_27, %dma_start3A_28] : memref<10000x128xf32, #tpu.memory_space<hbm>> -> memref<10000x128xf32, #tpu.memory_space<hbm>>
    tpu.enqueue_indirect_dma source(%dma_start3A_29 : memref<10000x128xf32, #tpu.memory_space<hbm>>) target(%arg7 : memref<128x128xf32, #tpu.memory_space<vmem>>) offsets(%dma_start3A_26 : memref<128xi32, #tpu.memory_space<vmem>>) semaphore(%arg10 : memref<!tpu.dma_semaphore, #tpu.memory_space<semaphore_mem>>)
    %scan3A_30 = arith.constant 0 : i32
    %scan3A_31 = arith.constant 20 : i32
    %scan3A_32 = arith.addi %scan3A_30, %scan3A_31 : i32
    %scan3A_33 = arith.constant 1 : i32
    scf.for %scan3A_58 = %scan3A_30 to %scan3A_32 step %scan3A_33  : i32 {
      %mul3A_59 = arith.constant 1 : i32
      %mul3A_60 = arith.muli %scan3A_58, %mul3A_59 : i32
      %add3A_61 = arith.constant 0 : i32
      %add3A_62 = arith.addi %add3A_61, %mul3A_60 : i32
      %mul3A_63 = arith.constant 2 : i32
      %mul3A_64 = arith.muli %mul3A_63, %add3A_62 : i32
      %add3A_65 = arith.constant 0 : i32
      %add3A_66 = arith.addi %add3A_65, %mul3A_64 : i32
      %add3A_67 = arith.constant 1 : i32
      %add3A_68 = arith.addi %add3A_66, %add3A_67 : i32
      %dma_wait3A_69 = arith.constant 0 : i32
      %dma_wait3A_70 = arith.constant 0 : i32
      %dma_wait3A_71 = tpu.memref_slice %arg5[%add3A_66, %dma_wait3A_69, %dma_wait3A_70] : memref<40x2x128xi32, #tpu.memory_space<vmem>> -> memref<1x1x128xi32, #tpu.memory_space<vmem>>
      %dma_wait3A_72 = tpu.memref_squeeze %dma_wait3A_71 : memref<1x1x128xi32, #tpu.memory_space<vmem>> -> memref<128xi32, #tpu.memory_space<vmem>>
      %dma_wait3A_73 = arith.constant 0 : i32
      %dma_wait3A_74 = arith.constant 0 : i32
      %dma_wait3A_75 = tpu.memref_slice %arg3[%dma_wait3A_73, %dma_wait3A_74] : memref<10000x128xf32, #tpu.memory_space<hbm>> -> memref<10000x128xf32, #tpu.memory_space<hbm>>
      tpu.wait_indirect_dma semaphore(%arg9 : memref<!tpu.dma_semaphore, #tpu.memory_space<semaphore_mem>>) src(%dma_wait3A_75 : memref<10000x128xf32, #tpu.memory_space<hbm>>) dst(%arg6 : memref<128x128xf32, #tpu.memory_space<vmem>>)
      %dma_start3A_76 = arith.constant 1 : i32
      %dma_start3A_77 = arith.constant 0 : i32
      %dma_start3A_78 = tpu.memref_slice %arg5[%add3A_66, %dma_start3A_76, %dma_start3A_77] : memref<40x2x128xi32, #tpu.memory_space<vmem>> -> memref<1x1x128xi32, #tpu.memory_space<vmem>>
      %dma_start3A_79 = tpu.memref_squeeze %dma_start3A_78 : memref<1x1x128xi32, #tpu.memory_space<vmem>> -> memref<128xi32, #tpu.memory_space<vmem>>
      %dma_start3A_80 = arith.constant 0 : i32
      %dma_start3A_81 = arith.constant 0 : i32
      %dma_start3A_82 = tpu.memref_slice %arg8[%dma_start3A_80, %dma_start3A_81] : memref<10240x128xf32, #tpu.memory_space<vmem_shared>> -> memref<10240x128xf32, #tpu.memory_space<vmem_shared>>
      tpu.enqueue_indirect_dma source(%arg6 : memref<128x128xf32, #tpu.memory_space<vmem>>) target(%dma_start3A_82 : memref<10240x128xf32, #tpu.memory_space<vmem_shared>>) offsets(%dma_start3A_79 : memref<128xi32, #tpu.memory_space<vmem>>) semaphore(%arg11 : memref<!tpu.dma_semaphore, #tpu.memory_space<semaphore_mem>>) {add = true}
      %dma_wait3A_83 = arith.constant 0 : i32
      %dma_wait3A_84 = arith.constant 0 : i32
      %dma_wait3A_85 = tpu.memref_slice %arg5[%add3A_68, %dma_wait3A_83, %dma_wait3A_84] : memref<40x2x128xi32, #tpu.memory_space<vmem>> -> memref<1x1x128xi32, #tpu.memory_space<vmem>>
      %dma_wait3A_86 = tpu.memref_squeeze %dma_wait3A_85 : memref<1x1x128xi32, #tpu.memory_space<vmem>> -> memref<128xi32, #tpu.memory_space<vmem>>
      %dma_wait3A_87 = arith.constant 0 : i32
      %dma_wait3A_88 = arith.constant 0 : i32
      %dma_wait3A_89 = tpu.memref_slice %arg3[%dma_wait3A_87, %dma_wait3A_88] : memref<10000x128xf32, #tpu.memory_space<hbm>> -> memref<10000x128xf32, #tpu.memory_space<hbm>>
      tpu.wait_indirect_dma semaphore(%arg10 : memref<!tpu.dma_semaphore, #tpu.memory_space<semaphore_mem>>) src(%dma_wait3A_89 : memref<10000x128xf32, #tpu.memory_space<hbm>>) dst(%arg7 : memref<128x128xf32, #tpu.memory_space<vmem>>)
      %dma_start3A_90 = arith.constant 1 : i32
      %dma_start3A_91 = arith.constant 0 : i32
      %dma_start3A_92 = tpu.memref_slice %arg5[%add3A_68, %dma_start3A_90, %dma_start3A_91] : memref<40x2x128xi32, #tpu.memory_space<vmem>> -> memref<1x1x128xi32, #tpu.memory_space<vmem>>
      %dma_start3A_93 = tpu.memref_squeeze %dma_start3A_92 : memref<1x1x128xi32, #tpu.memory_space<vmem>> -> memref<128xi32, #tpu.memory_space<vmem>>
      %dma_start3A_94 = arith.constant 0 : i32
      %dma_start3A_95 = arith.constant 0 : i32
      %dma_start3A_96 = tpu.memref_slice %arg8[%dma_start3A_94, %dma_start3A_95] : memref<10240x128xf32, #tpu.memory_space<vmem_shared>> -> memref<10240x128xf32, #tpu.memory_space<vmem_shared>>
      tpu.enqueue_indirect_dma source(%arg7 : memref<128x128xf32, #tpu.memory_space<vmem>>) target(%dma_start3A_96 : memref<10240x128xf32, #tpu.memory_space<vmem_shared>>) offsets(%dma_start3A_93 : memref<128xi32, #tpu.memory_space<vmem>>) semaphore(%arg12 : memref<!tpu.dma_semaphore, #tpu.memory_space<semaphore_mem>>) {add = true}
      %lt3A_97 = arith.constant 19 : i32
      %lt3A_98 = arith.cmpi slt, %add3A_62, %lt3A_97 : i32
      %convert_element_type3A_99 = arith.extui %lt3A_98 : i1 to i32
      %cond3A_100 = arith.constant 0 : i32
      %cond3A_101 = arith.cmpi ne, %convert_element_type3A_99, %cond3A_100 : i32
      scf.if %cond3A_101 {
        %dma_wait3A_102 = arith.constant 1 : i32
        %dma_wait3A_103 = arith.constant 0 : i32
        %dma_wait3A_104 = tpu.memref_slice %arg5[%add3A_66, %dma_wait3A_102, %dma_wait3A_103] : memref<40x2x128xi32, #tpu.memory_space<vmem>> -> memref<1x1x128xi32, #tpu.memory_space<vmem>>
        %dma_wait3A_105 = tpu.memref_squeeze %dma_wait3A_104 : memref<1x1x128xi32, #tpu.memory_space<vmem>> -> memref<128xi32, #tpu.memory_space<vmem>>
        %dma_wait3A_106 = arith.constant 0 : i32
        %dma_wait3A_107 = arith.constant 0 : i32
        %dma_wait3A_108 = tpu.memref_slice %arg8[%dma_wait3A_106, %dma_wait3A_107] : memref<10240x128xf32, #tpu.memory_space<vmem_shared>> -> memref<10240x128xf32, #tpu.memory_space<vmem_shared>>
        tpu.wait_indirect_dma semaphore(%arg11 : memref<!tpu.dma_semaphore, #tpu.memory_space<semaphore_mem>>) src(%arg6 : memref<128x128xf32, #tpu.memory_space<vmem>>) dst(%dma_wait3A_108 : memref<10240x128xf32, #tpu.memory_space<vmem_shared>>)
        %add3A_109 = arith.constant 2 : i32
        %add3A_110 = arith.addi %add3A_66, %add3A_109 : i32
        %dma_start3A_111 = arith.constant 0 : i32
        %dma_start3A_112 = arith.constant 0 : i32
        %dma_start3A_113 = tpu.memref_slice %arg5[%add3A_110, %dma_start3A_111, %dma_start3A_112] : memref<40x2x128xi32, #tpu.memory_space<vmem>> -> memref<1x1x128xi32, #tpu.memory_space<vmem>>
        %dma_start3A_114 = tpu.memref_squeeze %dma_start3A_113 : memref<1x1x128xi32, #tpu.memory_space<vmem>> -> memref<128xi32, #tpu.memory_space<vmem>>
        %dma_start3A_115 = arith.constant 0 : i32
        %dma_start3A_116 = arith.constant 0 : i32
        %dma_start3A_117 = tpu.memref_slice %arg3[%dma_start3A_115, %dma_start3A_116] : memref<10000x128xf32, #tpu.memory_space<hbm>> -> memref<10000x128xf32, #tpu.memory_space<hbm>>
        tpu.enqueue_indirect_dma source(%dma_start3A_117 : memref<10000x128xf32, #tpu.memory_space<hbm>>) target(%arg6 : memref<128x128xf32, #tpu.memory_space<vmem>>) offsets(%dma_start3A_114 : memref<128xi32, #tpu.memory_space<vmem>>) semaphore(%arg9 : memref<!tpu.dma_semaphore, #tpu.memory_space<semaphore_mem>>)
        %dma_wait3A_118 = arith.constant 1 : i32
        %dma_wait3A_119 = arith.constant 0 : i32
        %dma_wait3A_120 = tpu.memref_slice %arg5[%add3A_68, %dma_wait3A_118, %dma_wait3A_119] : memref<40x2x128xi32, #tpu.memory_space<vmem>> -> memref<1x1x128xi32, #tpu.memory_space<vmem>>
        %dma_wait3A_121 = tpu.memref_squeeze %dma_wait3A_120 : memref<1x1x128xi32, #tpu.memory_space<vmem>> -> memref<128xi32, #tpu.memory_space<vmem>>
        %dma_wait3A_122 = arith.constant 0 : i32
        %dma_wait3A_123 = arith.constant 0 : i32
        %dma_wait3A_124 = tpu.memref_slice %arg8[%dma_wait3A_122, %dma_wait3A_123] : memref<10240x128xf32, #tpu.memory_space<vmem_shared>> -> memref<10240x128xf32, #tpu.memory_space<vmem_shared>>
        tpu.wait_indirect_dma semaphore(%arg12 : memref<!tpu.dma_semaphore, #tpu.memory_space<semaphore_mem>>) src(%arg7 : memref<128x128xf32, #tpu.memory_space<vmem>>) dst(%dma_wait3A_124 : memref<10240x128xf32, #tpu.memory_space<vmem_shared>>)
        %add3A_125 = arith.constant 2 : i32
        %add3A_126 = arith.addi %add3A_68, %add3A_125 : i32
        %dma_start3A_127 = arith.constant 0 : i32
        %dma_start3A_128 = arith.constant 0 : i32
        %dma_start3A_129 = tpu.memref_slice %arg5[%add3A_126, %dma_start3A_127, %dma_start3A_128] : memref<40x2x128xi32, #tpu.memory_space<vmem>> -> memref<1x1x128xi32, #tpu.memory_space<vmem>>
        %dma_start3A_130 = tpu.memref_squeeze %dma_start3A_129 : memref<1x1x128xi32, #tpu.memory_space<vmem>> -> memref<128xi32, #tpu.memory_space<vmem>>
        %dma_start3A_131 = arith.constant 0 : i32
        %dma_start3A_132 = arith.constant 0 : i32
        %dma_start3A_133 = tpu.memref_slice %arg3[%dma_start3A_131, %dma_start3A_132] : memref<10000x128xf32, #tpu.memory_space<hbm>> -> memref<10000x128xf32, #tpu.memory_space<hbm>>
        tpu.enqueue_indirect_dma source(%dma_start3A_133 : memref<10000x128xf32, #tpu.memory_space<hbm>>) target(%arg7 : memref<128x128xf32, #tpu.memory_space<vmem>>) offsets(%dma_start3A_130 : memref<128xi32, #tpu.memory_space<vmem>>) semaphore(%arg10 : memref<!tpu.dma_semaphore, #tpu.memory_space<semaphore_mem>>)
      } else {
      }
    }
    %scan3A_34 = arith.constant 20 : i32
    %dma_wait3A = arith.constant 38 : i32
    %dma_wait3A_35 = arith.constant 1 : i32
    %dma_wait3A_36 = arith.constant 0 : i32
    %dma_wait3A_37 = tpu.memref_slice %arg5[%dma_wait3A, %dma_wait3A_35, %dma_wait3A_36] : memref<40x2x128xi32, #tpu.memory_space<vmem>> -> memref<1x1x128xi32, #tpu.memory_space<vmem>>
    %dma_wait3A_38 = tpu.memref_squeeze %dma_wait3A_37 : memref<1x1x128xi32, #tpu.memory_space<vmem>> -> memref<128xi32, #tpu.memory_space<vmem>>
    %dma_wait3A_39 = arith.constant 0 : i32
    %dma_wait3A_40 = arith.constant 0 : i32
    %dma_wait3A_41 = tpu.memref_slice %arg8[%dma_wait3A_39, %dma_wait3A_40] : memref<10240x128xf32, #tpu.memory_space<vmem_shared>> -> memref<10240x128xf32, #tpu.memory_space<vmem_shared>>
    tpu.wait_indirect_dma semaphore(%arg11 : memref<!tpu.dma_semaphore, #tpu.memory_space<semaphore_mem>>) src(%arg6 : memref<128x128xf32, #tpu.memory_space<vmem>>) dst(%dma_wait3A_41 : memref<10240x128xf32, #tpu.memory_space<vmem_shared>>)
    %dma_wait3A_42 = arith.constant 39 : i32
    %dma_wait3A_43 = arith.constant 1 : i32
    %dma_wait3A_44 = arith.constant 0 : i32
    %dma_wait3A_45 = tpu.memref_slice %arg5[%dma_wait3A_42, %dma_wait3A_43, %dma_wait3A_44] : memref<40x2x128xi32, #tpu.memory_space<vmem>> -> memref<1x1x128xi32, #tpu.memory_space<vmem>>
    %dma_wait3A_46 = tpu.memref_squeeze %dma_wait3A_45 : memref<1x1x128xi32, #tpu.memory_space<vmem>> -> memref<128xi32, #tpu.memory_space<vmem>>
    %dma_wait3A_47 = arith.constant 0 : i32
    %dma_wait3A_48 = arith.constant 0 : i32
    %dma_wait3A_49 = tpu.memref_slice %arg8[%dma_wait3A_47, %dma_wait3A_48] : memref<10240x128xf32, #tpu.memory_space<vmem_shared>> -> memref<10240x128xf32, #tpu.memory_space<vmem_shared>>
    tpu.wait_indirect_dma semaphore(%arg12 : memref<!tpu.dma_semaphore, #tpu.memory_space<semaphore_mem>>) src(%arg7 : memref<128x128xf32, #tpu.memory_space<vmem>>) dst(%dma_wait3A_49 : memref<10240x128xf32, #tpu.memory_space<vmem_shared>>)
    %convert_element_type3A = arith.extui %lt3A_5 : i1 to i32
    %cond3A = arith.constant 0 : i32
    %cond3A_50 = arith.cmpi ne, %convert_element_type3A, %cond3A : i32
    scf.if %cond3A_50 {
      %add3A_58 = arith.constant 79 : i32
      %add3A_59 = arith.addi %add3A_4, %add3A_58 : i32
      %sub3A = arith.constant 40 : i32
      %sub3A_60 = arith.subi %add3A_59, %sub3A : i32
      "tpu.region"() ({
        %run_scoped3A_115 = tpu.sem_alloc : memref<!tpu.dma_semaphore, #tpu.memory_space<semaphore_mem>>
        %dma_start3A_116 = arith.constant 0 : i32
        %dma_start3A_117 = arith.constant 0 : i32
        %dma_start3A_118 = tpu.memref_slice %arg2[%sub3A_60, %dma_start3A_116, %dma_start3A_117] : memref<2500x2x128xi32, #tpu.memory_space<hbm>> -> memref<40x2x128xi32, #tpu.memory_space<hbm>>
        %dma_start3A_119 = arith.constant 0 : i32
        %dma_start3A_120 = arith.constant 0 : i32
        %dma_start3A_121 = tpu.memref_slice %arg2[%sub3A_60, %dma_start3A_119, %dma_start3A_120] : memref<2500x2x128xi32, #tpu.memory_space<hbm>> -> memref<40x2x128xi32, #tpu.memory_space<hbm>>
        tpu.enqueue_dma source(%dma_start3A_121 : memref<40x2x128xi32, #tpu.memory_space<hbm>>) target(%arg5 : memref<40x2x128xi32, #tpu.memory_space<vmem>>) target_semaphore(%run_scoped3A_115 : memref<!tpu.dma_semaphore, #tpu.memory_space<semaphore_mem>>)
        %dma_wait3A_122 = arith.constant 0 : i32
        %dma_wait3A_123 = arith.constant 0 : i32
        %dma_wait3A_124 = tpu.memref_slice %arg2[%sub3A_60, %dma_wait3A_122, %dma_wait3A_123] : memref<2500x2x128xi32, #tpu.memory_space<hbm>> -> memref<40x2x128xi32, #tpu.memory_space<hbm>>
        %dma_wait3A_125 = arith.constant 0 : i32
        %dma_wait3A_126 = arith.constant 0 : i32
        %dma_wait3A_127 = tpu.memref_slice %arg2[%sub3A_60, %dma_wait3A_125, %dma_wait3A_126] : memref<2500x2x128xi32, #tpu.memory_space<hbm>> -> memref<40x2x128xi32, #tpu.memory_space<hbm>>
        tpu.wait_dma2 semaphore(%run_scoped3A_115 : memref<!tpu.dma_semaphore, #tpu.memory_space<semaphore_mem>>) src(%dma_wait3A_127 : memref<40x2x128xi32, #tpu.memory_space<hbm>>) dst(%arg5 : memref<40x2x128xi32, #tpu.memory_space<vmem>>)
        tpu.yield
      }) : () -> ()
      %dma_start3A_61 = arith.constant 1 : i32
      %dma_start3A_62 = arith.constant 0 : i32
      %dma_start3A_63 = arith.constant 0 : i32
      %dma_start3A_64 = tpu.memref_slice %arg5[%dma_start3A_61, %dma_start3A_62, %dma_start3A_63] : memref<40x2x128xi32, #tpu.memory_space<vmem>> -> memref<1x1x128xi32, #tpu.memory_space<vmem>>
      %dma_start3A_65 = tpu.memref_squeeze %dma_start3A_64 : memref<1x1x128xi32, #tpu.memory_space<vmem>> -> memref<128xi32, #tpu.memory_space<vmem>>
      %dma_start3A_66 = arith.constant 0 : i32
      %dma_start3A_67 = arith.constant 0 : i32
      %dma_start3A_68 = tpu.memref_slice %arg3[%dma_start3A_66, %dma_start3A_67] : memref<10000x128xf32, #tpu.memory_space<hbm>> -> memref<10000x128xf32, #tpu.memory_space<hbm>>
      tpu.enqueue_indirect_dma source(%dma_start3A_68 : memref<10000x128xf32, #tpu.memory_space<hbm>>) target(%arg6 : memref<128x128xf32, #tpu.memory_space<vmem>>) offsets(%dma_start3A_65 : memref<128xi32, #tpu.memory_space<vmem>>) semaphore(%arg9 : memref<!tpu.dma_semaphore, #tpu.memory_space<semaphore_mem>>)
      %dma_wait3A_69 = arith.constant 1 : i32
      %dma_wait3A_70 = arith.constant 0 : i32
      %dma_wait3A_71 = arith.constant 0 : i32
      %dma_wait3A_72 = tpu.memref_slice %arg5[%dma_wait3A_69, %dma_wait3A_70, %dma_wait3A_71] : memref<40x2x128xi32, #tpu.memory_space<vmem>> -> memref<1x1x128xi32, #tpu.memory_space<vmem>>
      %dma_wait3A_73 = tpu.memref_squeeze %dma_wait3A_72 : memref<1x1x128xi32, #tpu.memory_space<vmem>> -> memref<128xi32, #tpu.memory_space<vmem>>
      %dma_wait3A_74 = arith.constant 0 : i32
      %dma_wait3A_75 = arith.constant 0 : i32
      %dma_wait3A_76 = tpu.memref_slice %arg3[%dma_wait3A_74, %dma_wait3A_75] : memref<10000x128xf32, #tpu.memory_space<hbm>> -> memref<10000x128xf32, #tpu.memory_space<hbm>>
      tpu.wait_indirect_dma semaphore(%arg9 : memref<!tpu.dma_semaphore, #tpu.memory_space<semaphore_mem>>) src(%dma_wait3A_76 : memref<10000x128xf32, #tpu.memory_space<hbm>>) dst(%arg6 : memref<128x128xf32, #tpu.memory_space<vmem>>)
      %run_scoped3A = arith.constant 1 : i32
      %run_scoped3A_77 = arith.constant 1 : i32
      "tpu.region"() ({
        %run_scoped3A_115 = tpu.sem_alloc : memref<!tpu.dma_semaphore, #tpu.memory_space<semaphore_mem>>
        %dma_start3A_116 = arith.constant 0 : i32
        %dma_start3A_117 = tpu.memref_slice %arg5[%run_scoped3A, %run_scoped3A_77, %dma_start3A_116] : memref<40x2x128xi32, #tpu.memory_space<vmem>> -> memref<1x1x128xi32, #tpu.memory_space<vmem>>
        %dma_start3A_118 = tpu.memref_squeeze %dma_start3A_117 : memref<1x1x128xi32, #tpu.memory_space<vmem>> -> memref<128xi32, #tpu.memory_space<vmem>>
        %dma_start3A_119 = arith.constant 0 : i32
        %dma_start3A_120 = arith.constant 0 : i32
        %dma_start3A_121 = tpu.memref_slice %arg8[%dma_start3A_119, %dma_start3A_120] : memref<10240x128xf32, #tpu.memory_space<vmem_shared>> -> memref<10240x128xf32, #tpu.memory_space<vmem_shared>>
        tpu.enqueue_indirect_dma source(%arg6 : memref<128x128xf32, #tpu.memory_space<vmem>>) target(%dma_start3A_121 : memref<10240x128xf32, #tpu.memory_space<vmem_shared>>) offsets(%dma_start3A_118 : memref<128xi32, #tpu.memory_space<vmem>>) semaphore(%run_scoped3A_115 : memref<!tpu.dma_semaphore, #tpu.memory_space<semaphore_mem>>) {add = true}
        %dma_wait3A_122 = arith.constant 0 : i32
        %dma_wait3A_123 = tpu.memref_slice %arg5[%run_scoped3A, %run_scoped3A_77, %dma_wait3A_122] : memref<40x2x128xi32, #tpu.memory_space<vmem>> -> memref<1x1x128xi32, #tpu.memory_space<vmem>>
        %dma_wait3A_124 = tpu.memref_squeeze %dma_wait3A_123 : memref<1x1x128xi32, #tpu.memory_space<vmem>> -> memref<128xi32, #tpu.memory_space<vmem>>
        %dma_wait3A_125 = arith.constant 0 : i32
        %dma_wait3A_126 = arith.constant 0 : i32
        %dma_wait3A_127 = tpu.memref_slice %arg8[%dma_wait3A_125, %dma_wait3A_126] : memref<10240x128xf32, #tpu.memory_space<vmem_shared>> -> memref<10240x128xf32, #tpu.memory_space<vmem_shared>>
        tpu.wait_indirect_dma semaphore(%run_scoped3A_115 : memref<!tpu.dma_semaphore, #tpu.memory_space<semaphore_mem>>) src(%arg6 : memref<128x128xf32, #tpu.memory_space<vmem>>) dst(%dma_wait3A_127 : memref<10240x128xf32, #tpu.memory_space<vmem_shared>>)
        tpu.yield
      }) : () -> ()
      %dma_start3A_78 = arith.constant 2 : i32
      %dma_start3A_79 = arith.constant 0 : i32
      %dma_start3A_80 = arith.constant 0 : i32
      %dma_start3A_81 = tpu.memref_slice %arg5[%dma_start3A_78, %dma_start3A_79, %dma_start3A_80] : memref<40x2x128xi32, #tpu.memory_space<vmem>> -> memref<1x1x128xi32, #tpu.memory_space<vmem>>
      %dma_start3A_82 = tpu.memref_squeeze %dma_start3A_81 : memref<1x1x128xi32, #tpu.memory_space<vmem>> -> memref<128xi32, #tpu.memory_space<vmem>>
      %dma_start3A_83 = arith.constant 0 : i32
      %dma_start3A_84 = arith.constant 0 : i32
      %dma_start3A_85 = tpu.memref_slice %arg3[%dma_start3A_83, %dma_start3A_84] : memref<10000x128xf32, #tpu.memory_space<hbm>> -> memref<10000x128xf32, #tpu.memory_space<hbm>>
      tpu.enqueue_indirect_dma source(%dma_start3A_85 : memref<10000x128xf32, #tpu.memory_space<hbm>>) target(%arg6 : memref<128x128xf32, #tpu.memory_space<vmem>>) offsets(%dma_start3A_82 : memref<128xi32, #tpu.memory_space<vmem>>) semaphore(%arg9 : memref<!tpu.dma_semaphore, #tpu.memory_space<semaphore_mem>>)
      %dma_start3A_86 = arith.constant 3 : i32
      %dma_start3A_87 = arith.constant 0 : i32
      %dma_start3A_88 = arith.constant 0 : i32
      %dma_start3A_89 = tpu.memref_slice %arg5[%dma_start3A_86, %dma_start3A_87, %dma_start3A_88] : memref<40x2x128xi32, #tpu.memory_space<vmem>> -> memref<1x1x128xi32, #tpu.memory_space<vmem>>
      %dma_start3A_90 = tpu.memref_squeeze %dma_start3A_89 : memref<1x1x128xi32, #tpu.memory_space<vmem>> -> memref<128xi32, #tpu.memory_space<vmem>>
      %dma_start3A_91 = arith.constant 0 : i32
      %dma_start3A_92 = arith.constant 0 : i32
      %dma_start3A_93 = tpu.memref_slice %arg3[%dma_start3A_91, %dma_start3A_92] : memref<10000x128xf32, #tpu.memory_space<hbm>> -> memref<10000x128xf32, #tpu.memory_space<hbm>>
      tpu.enqueue_indirect_dma source(%dma_start3A_93 : memref<10000x128xf32, #tpu.memory_space<hbm>>) target(%arg7 : memref<128x128xf32, #tpu.memory_space<vmem>>) offsets(%dma_start3A_90 : memref<128xi32, #tpu.memory_space<vmem>>) semaphore(%arg10 : memref<!tpu.dma_semaphore, #tpu.memory_space<semaphore_mem>>)
      %scan3A_94 = arith.constant 0 : i32
      %scan3A_95 = arith.constant 19 : i32
      %scan3A_96 = arith.addi %scan3A_94, %scan3A_95 : i32
      %scan3A_97 = arith.constant 1 : i32
      scf.for %scan3A_115 = %scan3A_94 to %scan3A_96 step %scan3A_97  : i32 {
        %mul3A_116 = arith.constant 1 : i32
        %mul3A_117 = arith.muli %scan3A_115, %mul3A_116 : i32
        %add3A_118 = arith.constant 0 : i32
        %add3A_119 = arith.addi %add3A_118, %mul3A_117 : i32
        %mul3A_120 = arith.constant 2 : i32
        %mul3A_121 = arith.muli %mul3A_120, %add3A_119 : i32
        %add3A_122 = arith.constant 2 : i32
        %add3A_123 = arith.addi %add3A_122, %mul3A_121 : i32
        %add3A_124 = arith.constant 1 : i32
        %add3A_125 = arith.addi %add3A_123, %add3A_124 : i32
        %dma_wait3A_126 = arith.constant 0 : i32
        %dma_wait3A_127 = arith.constant 0 : i32
        %dma_wait3A_128 = tpu.memref_slice %arg5[%add3A_123, %dma_wait3A_126, %dma_wait3A_127] : memref<40x2x128xi32, #tpu.memory_space<vmem>> -> memref<1x1x128xi32, #tpu.memory_space<vmem>>
        %dma_wait3A_129 = tpu.memref_squeeze %dma_wait3A_128 : memref<1x1x128xi32, #tpu.memory_space<vmem>> -> memref<128xi32, #tpu.memory_space<vmem>>
        %dma_wait3A_130 = arith.constant 0 : i32
        %dma_wait3A_131 = arith.constant 0 : i32
        %dma_wait3A_132 = tpu.memref_slice %arg3[%dma_wait3A_130, %dma_wait3A_131] : memref<10000x128xf32, #tpu.memory_space<hbm>> -> memref<10000x128xf32, #tpu.memory_space<hbm>>
        tpu.wait_indirect_dma semaphore(%arg9 : memref<!tpu.dma_semaphore, #tpu.memory_space<semaphore_mem>>) src(%dma_wait3A_132 : memref<10000x128xf32, #tpu.memory_space<hbm>>) dst(%arg6 : memref<128x128xf32, #tpu.memory_space<vmem>>)
        %dma_start3A_133 = arith.constant 1 : i32
        %dma_start3A_134 = arith.constant 0 : i32
        %dma_start3A_135 = tpu.memref_slice %arg5[%add3A_123, %dma_start3A_133, %dma_start3A_134] : memref<40x2x128xi32, #tpu.memory_space<vmem>> -> memref<1x1x128xi32, #tpu.memory_space<vmem>>
        %dma_start3A_136 = tpu.memref_squeeze %dma_start3A_135 : memref<1x1x128xi32, #tpu.memory_space<vmem>> -> memref<128xi32, #tpu.memory_space<vmem>>
        %dma_start3A_137 = arith.constant 0 : i32
        %dma_start3A_138 = arith.constant 0 : i32
        %dma_start3A_139 = tpu.memref_slice %arg8[%dma_start3A_137, %dma_start3A_138] : memref<10240x128xf32, #tpu.memory_space<vmem_shared>> -> memref<10240x128xf32, #tpu.memory_space<vmem_shared>>
        tpu.enqueue_indirect_dma source(%arg6 : memref<128x128xf32, #tpu.memory_space<vmem>>) target(%dma_start3A_139 : memref<10240x128xf32, #tpu.memory_space<vmem_shared>>) offsets(%dma_start3A_136 : memref<128xi32, #tpu.memory_space<vmem>>) semaphore(%arg11 : memref<!tpu.dma_semaphore, #tpu.memory_space<semaphore_mem>>) {add = true}
        %dma_wait3A_140 = arith.constant 0 : i32
        %dma_wait3A_141 = arith.constant 0 : i32
        %dma_wait3A_142 = tpu.memref_slice %arg5[%add3A_125, %dma_wait3A_140, %dma_wait3A_141] : memref<40x2x128xi32, #tpu.memory_space<vmem>> -> memref<1x1x128xi32, #tpu.memory_space<vmem>>
        %dma_wait3A_143 = tpu.memref_squeeze %dma_wait3A_142 : memref<1x1x128xi32, #tpu.memory_space<vmem>> -> memref<128xi32, #tpu.memory_space<vmem>>
        %dma_wait3A_144 = arith.constant 0 : i32
        %dma_wait3A_145 = arith.constant 0 : i32
        %dma_wait3A_146 = tpu.memref_slice %arg3[%dma_wait3A_144, %dma_wait3A_145] : memref<10000x128xf32, #tpu.memory_space<hbm>> -> memref<10000x128xf32, #tpu.memory_space<hbm>>
        tpu.wait_indirect_dma semaphore(%arg10 : memref<!tpu.dma_semaphore, #tpu.memory_space<semaphore_mem>>) src(%dma_wait3A_146 : memref<10000x128xf32, #tpu.memory_space<hbm>>) dst(%arg7 : memref<128x128xf32, #tpu.memory_space<vmem>>)
        %dma_start3A_147 = arith.constant 1 : i32
        %dma_start3A_148 = arith.constant 0 : i32
        %dma_start3A_149 = tpu.memref_slice %arg5[%add3A_125, %dma_start3A_147, %dma_start3A_148] : memref<40x2x128xi32, #tpu.memory_space<vmem>> -> memref<1x1x128xi32, #tpu.memory_space<vmem>>
        %dma_start3A_150 = tpu.memref_squeeze %dma_start3A_149 : memref<1x1x128xi32, #tpu.memory_space<vmem>> -> memref<128xi32, #tpu.memory_space<vmem>>
        %dma_start3A_151 = arith.constant 0 : i32
        %dma_start3A_152 = arith.constant 0 : i32
        %dma_start3A_153 = tpu.memref_slice %arg8[%dma_start3A_151, %dma_start3A_152] : memref<10240x128xf32, #tpu.memory_space<vmem_shared>> -> memref<10240x128xf32, #tpu.memory_space<vmem_shared>>
        tpu.enqueue_indirect_dma source(%arg7 : memref<128x128xf32, #tpu.memory_space<vmem>>) target(%dma_start3A_153 : memref<10240x128xf32, #tpu.memory_space<vmem_shared>>) offsets(%dma_start3A_150 : memref<128xi32, #tpu.memory_space<vmem>>) semaphore(%arg12 : memref<!tpu.dma_semaphore, #tpu.memory_space<semaphore_mem>>) {add = true}
        %lt3A_154 = arith.constant 18 : i32
        %lt3A_155 = arith.cmpi slt, %add3A_119, %lt3A_154 : i32
        %convert_element_type3A_156 = arith.extui %lt3A_155 : i1 to i32
        %cond3A_157 = arith.constant 0 : i32
        %cond3A_158 = arith.cmpi ne, %convert_element_type3A_156, %cond3A_157 : i32
        scf.if %cond3A_158 {
          %dma_wait3A_159 = arith.constant 1 : i32
          %dma_wait3A_160 = arith.constant 0 : i32
          %dma_wait3A_161 = tpu.memref_slice %arg5[%add3A_123, %dma_wait3A_159, %dma_wait3A_160] : memref<40x2x128xi32, #tpu.memory_space<vmem>> -> memref<1x1x128xi32, #tpu.memory_space<vmem>>
          %dma_wait3A_162 = tpu.memref_squeeze %dma_wait3A_161 : memref<1x1x128xi32, #tpu.memory_space<vmem>> -> memref<128xi32, #tpu.memory_space<vmem>>
          %dma_wait3A_163 = arith.constant 0 : i32
          %dma_wait3A_164 = arith.constant 0 : i32
          %dma_wait3A_165 = tpu.memref_slice %arg8[%dma_wait3A_163, %dma_wait3A_164] : memref<10240x128xf32, #tpu.memory_space<vmem_shared>> -> memref<10240x128xf32, #tpu.memory_space<vmem_shared>>
          tpu.wait_indirect_dma semaphore(%arg11 : memref<!tpu.dma_semaphore, #tpu.memory_space<semaphore_mem>>) src(%arg6 : memref<128x128xf32, #tpu.memory_space<vmem>>) dst(%dma_wait3A_165 : memref<10240x128xf32, #tpu.memory_space<vmem_shared>>)
          %add3A_166 = arith.constant 2 : i32
          %add3A_167 = arith.addi %add3A_123, %add3A_166 : i32
          %dma_start3A_168 = arith.constant 0 : i32
          %dma_start3A_169 = arith.constant 0 : i32
          %dma_start3A_170 = tpu.memref_slice %arg5[%add3A_167, %dma_start3A_168, %dma_start3A_169] : memref<40x2x128xi32, #tpu.memory_space<vmem>> -> memref<1x1x128xi32, #tpu.memory_space<vmem>>
          %dma_start3A_171 = tpu.memref_squeeze %dma_start3A_170 : memref<1x1x128xi32, #tpu.memory_space<vmem>> -> memref<128xi32, #tpu.memory_space<vmem>>
          %dma_start3A_172 = arith.constant 0 : i32
          %dma_start3A_173 = arith.constant 0 : i32
          %dma_start3A_174 = tpu.memref_slice %arg3[%dma_start3A_172, %dma_start3A_173] : memref<10000x128xf32, #tpu.memory_space<hbm>> -> memref<10000x128xf32, #tpu.memory_space<hbm>>
          tpu.enqueue_indirect_dma source(%dma_start3A_174 : memref<10000x128xf32, #tpu.memory_space<hbm>>) target(%arg6 : memref<128x128xf32, #tpu.memory_space<vmem>>) offsets(%dma_start3A_171 : memref<128xi32, #tpu.memory_space<vmem>>) semaphore(%arg9 : memref<!tpu.dma_semaphore, #tpu.memory_space<semaphore_mem>>)
          %dma_wait3A_175 = arith.constant 1 : i32
          %dma_wait3A_176 = arith.constant 0 : i32
          %dma_wait3A_177 = tpu.memref_slice %arg5[%add3A_125, %dma_wait3A_175, %dma_wait3A_176] : memref<40x2x128xi32, #tpu.memory_space<vmem>> -> memref<1x1x128xi32, #tpu.memory_space<vmem>>
          %dma_wait3A_178 = tpu.memref_squeeze %dma_wait3A_177 : memref<1x1x128xi32, #tpu.memory_space<vmem>> -> memref<128xi32, #tpu.memory_space<vmem>>
          %dma_wait3A_179 = arith.constant 0 : i32
          %dma_wait3A_180 = arith.constant 0 : i32
          %dma_wait3A_181 = tpu.memref_slice %arg8[%dma_wait3A_179, %dma_wait3A_180] : memref<10240x128xf32, #tpu.memory_space<vmem_shared>> -> memref<10240x128xf32, #tpu.memory_space<vmem_shared>>
          tpu.wait_indirect_dma semaphore(%arg12 : memref<!tpu.dma_semaphore, #tpu.memory_space<semaphore_mem>>) src(%arg7 : memref<128x128xf32, #tpu.memory_space<vmem>>) dst(%dma_wait3A_181 : memref<10240x128xf32, #tpu.memory_space<vmem_shared>>)
          %add3A_182 = arith.constant 2 : i32
          %add3A_183 = arith.addi %add3A_125, %add3A_182 : i32
          %dma_start3A_184 = arith.constant 0 : i32
          %dma_start3A_185 = arith.constant 0 : i32
          %dma_start3A_186 = tpu.memref_slice %arg5[%add3A_183, %dma_start3A_184, %dma_start3A_185] : memref<40x2x128xi32, #tpu.memory_space<vmem>> -> memref<1x1x128xi32, #tpu.memory_space<vmem>>
          %dma_start3A_187 = tpu.memref_squeeze %dma_start3A_186 : memref<1x1x128xi32, #tpu.memory_space<vmem>> -> memref<128xi32, #tpu.memory_space<vmem>>
          %dma_start3A_188 = arith.constant 0 : i32
          %dma_start3A_189 = arith.constant 0 : i32
          %dma_start3A_190 = tpu.memref_slice %arg3[%dma_start3A_188, %dma_start3A_189] : memref<10000x128xf32, #tpu.memory_space<hbm>> -> memref<10000x128xf32, #tpu.memory_space<hbm>>
          tpu.enqueue_indirect_dma source(%dma_start3A_190 : memref<10000x128xf32, #tpu.memory_space<hbm>>) target(%arg7 : memref<128x128xf32, #tpu.memory_space<vmem>>) offsets(%dma_start3A_187 : memref<128xi32, #tpu.memory_space<vmem>>) semaphore(%arg10 : memref<!tpu.dma_semaphore, #tpu.memory_space<semaphore_mem>>)
        } else {
        }
      }
      %scan3A_98 = arith.constant 19 : i32
      %dma_wait3A_99 = arith.constant 38 : i32
      %dma_wait3A_100 = arith.constant 1 : i32
      %dma_wait3A_101 = arith.constant 0 : i32
      %dma_wait3A_102 = tpu.memref_slice %arg5[%dma_wait3A_99, %dma_wait3A_100, %dma_wait3A_101] : memref<40x2x128xi32, #tpu.memory_space<vmem>> -> memref<1x1x128xi32, #tpu.memory_space<vmem>>
      %dma_wait3A_103 = tpu.memref_squeeze %dma_wait3A_102 : memref<1x1x128xi32, #tpu.memory_space<vmem>> -> memref<128xi32, #tpu.memory_space<vmem>>
      %dma_wait3A_104 = arith.constant 0 : i32
      %dma_wait3A_105 = arith.constant 0 : i32
      %dma_wait3A_106 = tpu.memref_slice %arg8[%dma_wait3A_104, %dma_wait3A_105] : memref<10240x128xf32, #tpu.memory_space<vmem_shared>> -> memref<10240x128xf32, #tpu.memory_space<vmem_shared>>
      tpu.wait_indirect_dma semaphore(%arg11 : memref<!tpu.dma_semaphore, #tpu.memory_space<semaphore_mem>>) src(%arg6 : memref<128x128xf32, #tpu.memory_space<vmem>>) dst(%dma_wait3A_106 : memref<10240x128xf32, #tpu.memory_space<vmem_shared>>)
      %dma_wait3A_107 = arith.constant 39 : i32
      %dma_wait3A_108 = arith.constant 1 : i32
      %dma_wait3A_109 = arith.constant 0 : i32
      %dma_wait3A_110 = tpu.memref_slice %arg5[%dma_wait3A_107, %dma_wait3A_108, %dma_wait3A_109] : memref<40x2x128xi32, #tpu.memory_space<vmem>> -> memref<1x1x128xi32, #tpu.memory_space<vmem>>
      %dma_wait3A_111 = tpu.memref_squeeze %dma_wait3A_110 : memref<1x1x128xi32, #tpu.memory_space<vmem>> -> memref<128xi32, #tpu.memory_space<vmem>>
      %dma_wait3A_112 = arith.constant 0 : i32
      %dma_wait3A_113 = arith.constant 0 : i32
      %dma_wait3A_114 = tpu.memref_slice %arg8[%dma_wait3A_112, %dma_wait3A_113] : memref<10240x128xf32, #tpu.memory_space<vmem_shared>> -> memref<10240x128xf32, #tpu.memory_space<vmem_shared>>
      tpu.wait_indirect_dma semaphore(%arg12 : memref<!tpu.dma_semaphore, #tpu.memory_space<semaphore_mem>>) src(%arg7 : memref<128x128xf32, #tpu.memory_space<vmem>>) dst(%dma_wait3A_114 : memref<10240x128xf32, #tpu.memory_space<vmem_shared>>)
    } else {
    }
    %not3A = arith.constant true
    %not3A_51 = arith.xori %lt3A_5, %not3A : i1
    %convert_element_type3A_52 = arith.extui %not3A_51 : i1 to i32
    %cond3A_53 = arith.constant 0 : i32
    %cond3A_54 = arith.cmpi ne, %convert_element_type3A_52, %cond3A_53 : i32
    scf.if %cond3A_54 {
      %add3A_58 = arith.constant 78 : i32
      %add3A_59 = arith.addi %add3A_4, %add3A_58 : i32
      %sub3A = arith.constant 40 : i32
      %sub3A_60 = arith.subi %add3A_59, %sub3A : i32
      "tpu.region"() ({
        %run_scoped3A = tpu.sem_alloc : memref<!tpu.dma_semaphore, #tpu.memory_space<semaphore_mem>>
        %dma_start3A_98 = arith.constant 0 : i32
        %dma_start3A_99 = arith.constant 0 : i32
        %dma_start3A_100 = tpu.memref_slice %arg2[%sub3A_60, %dma_start3A_98, %dma_start3A_99] : memref<2500x2x128xi32, #tpu.memory_space<hbm>> -> memref<40x2x128xi32, #tpu.memory_space<hbm>>
        %dma_start3A_101 = arith.constant 0 : i32
        %dma_start3A_102 = arith.constant 0 : i32
        %dma_start3A_103 = tpu.memref_slice %arg2[%sub3A_60, %dma_start3A_101, %dma_start3A_102] : memref<2500x2x128xi32, #tpu.memory_space<hbm>> -> memref<40x2x128xi32, #tpu.memory_space<hbm>>
        tpu.enqueue_dma source(%dma_start3A_103 : memref<40x2x128xi32, #tpu.memory_space<hbm>>) target(%arg5 : memref<40x2x128xi32, #tpu.memory_space<vmem>>) target_semaphore(%run_scoped3A : memref<!tpu.dma_semaphore, #tpu.memory_space<semaphore_mem>>)
        %dma_wait3A_104 = arith.constant 0 : i32
        %dma_wait3A_105 = arith.constant 0 : i32
        %dma_wait3A_106 = tpu.memref_slice %arg2[%sub3A_60, %dma_wait3A_104, %dma_wait3A_105] : memref<2500x2x128xi32, #tpu.memory_space<hbm>> -> memref<40x2x128xi32, #tpu.memory_space<hbm>>
        %dma_wait3A_107 = arith.constant 0 : i32
        %dma_wait3A_108 = arith.constant 0 : i32
        %dma_wait3A_109 = tpu.memref_slice %arg2[%sub3A_60, %dma_wait3A_107, %dma_wait3A_108] : memref<2500x2x128xi32, #tpu.memory_space<hbm>> -> memref<40x2x128xi32, #tpu.memory_space<hbm>>
        tpu.wait_dma2 semaphore(%run_scoped3A : memref<!tpu.dma_semaphore, #tpu.memory_space<semaphore_mem>>) src(%dma_wait3A_109 : memref<40x2x128xi32, #tpu.memory_space<hbm>>) dst(%arg5 : memref<40x2x128xi32, #tpu.memory_space<vmem>>)
        tpu.yield
      }) : () -> ()
      %dma_start3A_61 = arith.constant 2 : i32
      %dma_start3A_62 = arith.constant 0 : i32
      %dma_start3A_63 = arith.constant 0 : i32
      %dma_start3A_64 = tpu.memref_slice %arg5[%dma_start3A_61, %dma_start3A_62, %dma_start3A_63] : memref<40x2x128xi32, #tpu.memory_space<vmem>> -> memref<1x1x128xi32, #tpu.memory_space<vmem>>
      %dma_start3A_65 = tpu.memref_squeeze %dma_start3A_64 : memref<1x1x128xi32, #tpu.memory_space<vmem>> -> memref<128xi32, #tpu.memory_space<vmem>>
      %dma_start3A_66 = arith.constant 0 : i32
      %dma_start3A_67 = arith.constant 0 : i32
      %dma_start3A_68 = tpu.memref_slice %arg3[%dma_start3A_66, %dma_start3A_67] : memref<10000x128xf32, #tpu.memory_space<hbm>> -> memref<10000x128xf32, #tpu.memory_space<hbm>>
      tpu.enqueue_indirect_dma source(%dma_start3A_68 : memref<10000x128xf32, #tpu.memory_space<hbm>>) target(%arg6 : memref<128x128xf32, #tpu.memory_space<vmem>>) offsets(%dma_start3A_65 : memref<128xi32, #tpu.memory_space<vmem>>) semaphore(%arg9 : memref<!tpu.dma_semaphore, #tpu.memory_space<semaphore_mem>>)
      %dma_start3A_69 = arith.constant 3 : i32
      %dma_start3A_70 = arith.constant 0 : i32
      %dma_start3A_71 = arith.constant 0 : i32
      %dma_start3A_72 = tpu.memref_slice %arg5[%dma_start3A_69, %dma_start3A_70, %dma_start3A_71] : memref<40x2x128xi32, #tpu.memory_space<vmem>> -> memref<1x1x128xi32, #tpu.memory_space<vmem>>
      %dma_start3A_73 = tpu.memref_squeeze %dma_start3A_72 : memref<1x1x128xi32, #tpu.memory_space<vmem>> -> memref<128xi32, #tpu.memory_space<vmem>>
      %dma_start3A_74 = arith.constant 0 : i32
      %dma_start3A_75 = arith.constant 0 : i32
      %dma_start3A_76 = tpu.memref_slice %arg3[%dma_start3A_74, %dma_start3A_75] : memref<10000x128xf32, #tpu.memory_space<hbm>> -> memref<10000x128xf32, #tpu.memory_space<hbm>>
      tpu.enqueue_indirect_dma source(%dma_start3A_76 : memref<10000x128xf32, #tpu.memory_space<hbm>>) target(%arg7 : memref<128x128xf32, #tpu.memory_space<vmem>>) offsets(%dma_start3A_73 : memref<128xi32, #tpu.memory_space<vmem>>) semaphore(%arg10 : memref<!tpu.dma_semaphore, #tpu.memory_space<semaphore_mem>>)
      %scan3A_77 = arith.constant 0 : i32
      %scan3A_78 = arith.constant 19 : i32
      %scan3A_79 = arith.addi %scan3A_77, %scan3A_78 : i32
      %scan3A_80 = arith.constant 1 : i32
      scf.for %scan3A_98 = %scan3A_77 to %scan3A_79 step %scan3A_80  : i32 {
        %mul3A_99 = arith.constant 1 : i32
        %mul3A_100 = arith.muli %scan3A_98, %mul3A_99 : i32
        %add3A_101 = arith.constant 0 : i32
        %add3A_102 = arith.addi %add3A_101, %mul3A_100 : i32
        %mul3A_103 = arith.constant 2 : i32
        %mul3A_104 = arith.muli %mul3A_103, %add3A_102 : i32
        %add3A_105 = arith.constant 2 : i32
        %add3A_106 = arith.addi %add3A_105, %mul3A_104 : i32
        %add3A_107 = arith.constant 1 : i32
        %add3A_108 = arith.addi %add3A_106, %add3A_107 : i32
        %dma_wait3A_109 = arith.constant 0 : i32
        %dma_wait3A_110 = arith.constant 0 : i32
        %dma_wait3A_111 = tpu.memref_slice %arg5[%add3A_106, %dma_wait3A_109, %dma_wait3A_110] : memref<40x2x128xi32, #tpu.memory_space<vmem>> -> memref<1x1x128xi32, #tpu.memory_space<vmem>>
        %dma_wait3A_112 = tpu.memref_squeeze %dma_wait3A_111 : memref<1x1x128xi32, #tpu.memory_space<vmem>> -> memref<128xi32, #tpu.memory_space<vmem>>
        %dma_wait3A_113 = arith.constant 0 : i32
        %dma_wait3A_114 = arith.constant 0 : i32
        %dma_wait3A_115 = tpu.memref_slice %arg3[%dma_wait3A_113, %dma_wait3A_114] : memref<10000x128xf32, #tpu.memory_space<hbm>> -> memref<10000x128xf32, #tpu.memory_space<hbm>>
        tpu.wait_indirect_dma semaphore(%arg9 : memref<!tpu.dma_semaphore, #tpu.memory_space<semaphore_mem>>) src(%dma_wait3A_115 : memref<10000x128xf32, #tpu.memory_space<hbm>>) dst(%arg6 : memref<128x128xf32, #tpu.memory_space<vmem>>)
        %dma_start3A_116 = arith.constant 1 : i32
        %dma_start3A_117 = arith.constant 0 : i32
        %dma_start3A_118 = tpu.memref_slice %arg5[%add3A_106, %dma_start3A_116, %dma_start3A_117] : memref<40x2x128xi32, #tpu.memory_space<vmem>> -> memref<1x1x128xi32, #tpu.memory_space<vmem>>
        %dma_start3A_119 = tpu.memref_squeeze %dma_start3A_118 : memref<1x1x128xi32, #tpu.memory_space<vmem>> -> memref<128xi32, #tpu.memory_space<vmem>>
        %dma_start3A_120 = arith.constant 0 : i32
        %dma_start3A_121 = arith.constant 0 : i32
        %dma_start3A_122 = tpu.memref_slice %arg8[%dma_start3A_120, %dma_start3A_121] : memref<10240x128xf32, #tpu.memory_space<vmem_shared>> -> memref<10240x128xf32, #tpu.memory_space<vmem_shared>>
        tpu.enqueue_indirect_dma source(%arg6 : memref<128x128xf32, #tpu.memory_space<vmem>>) target(%dma_start3A_122 : memref<10240x128xf32, #tpu.memory_space<vmem_shared>>) offsets(%dma_start3A_119 : memref<128xi32, #tpu.memory_space<vmem>>) semaphore(%arg11 : memref<!tpu.dma_semaphore, #tpu.memory_space<semaphore_mem>>) {add = true}
        %dma_wait3A_123 = arith.constant 0 : i32
        %dma_wait3A_124 = arith.constant 0 : i32
        %dma_wait3A_125 = tpu.memref_slice %arg5[%add3A_108, %dma_wait3A_123, %dma_wait3A_124] : memref<40x2x128xi32, #tpu.memory_space<vmem>> -> memref<1x1x128xi32, #tpu.memory_space<vmem>>
        %dma_wait3A_126 = tpu.memref_squeeze %dma_wait3A_125 : memref<1x1x128xi32, #tpu.memory_space<vmem>> -> memref<128xi32, #tpu.memory_space<vmem>>
        %dma_wait3A_127 = arith.constant 0 : i32
        %dma_wait3A_128 = arith.constant 0 : i32
        %dma_wait3A_129 = tpu.memref_slice %arg3[%dma_wait3A_127, %dma_wait3A_128] : memref<10000x128xf32, #tpu.memory_space<hbm>> -> memref<10000x128xf32, #tpu.memory_space<hbm>>
        tpu.wait_indirect_dma semaphore(%arg10 : memref<!tpu.dma_semaphore, #tpu.memory_space<semaphore_mem>>) src(%dma_wait3A_129 : memref<10000x128xf32, #tpu.memory_space<hbm>>) dst(%arg7 : memref<128x128xf32, #tpu.memory_space<vmem>>)
        %dma_start3A_130 = arith.constant 1 : i32
        %dma_start3A_131 = arith.constant 0 : i32
        %dma_start3A_132 = tpu.memref_slice %arg5[%add3A_108, %dma_start3A_130, %dma_start3A_131] : memref<40x2x128xi32, #tpu.memory_space<vmem>> -> memref<1x1x128xi32, #tpu.memory_space<vmem>>
        %dma_start3A_133 = tpu.memref_squeeze %dma_start3A_132 : memref<1x1x128xi32, #tpu.memory_space<vmem>> -> memref<128xi32, #tpu.memory_space<vmem>>
        %dma_start3A_134 = arith.constant 0 : i32
        %dma_start3A_135 = arith.constant 0 : i32
        %dma_start3A_136 = tpu.memref_slice %arg8[%dma_start3A_134, %dma_start3A_135] : memref<10240x128xf32, #tpu.memory_space<vmem_shared>> -> memref<10240x128xf32, #tpu.memory_space<vmem_shared>>
        tpu.enqueue_indirect_dma source(%arg7 : memref<128x128xf32, #tpu.memory_space<vmem>>) target(%dma_start3A_136 : memref<10240x128xf32, #tpu.memory_space<vmem_shared>>) offsets(%dma_start3A_133 : memref<128xi32, #tpu.memory_space<vmem>>) semaphore(%arg12 : memref<!tpu.dma_semaphore, #tpu.memory_space<semaphore_mem>>) {add = true}
        %lt3A_137 = arith.constant 18 : i32
        %lt3A_138 = arith.cmpi slt, %add3A_102, %lt3A_137 : i32
        %convert_element_type3A_139 = arith.extui %lt3A_138 : i1 to i32
        %cond3A_140 = arith.constant 0 : i32
        %cond3A_141 = arith.cmpi ne, %convert_element_type3A_139, %cond3A_140 : i32
        scf.if %cond3A_141 {
          %dma_wait3A_142 = arith.constant 1 : i32
          %dma_wait3A_143 = arith.constant 0 : i32
          %dma_wait3A_144 = tpu.memref_slice %arg5[%add3A_106, %dma_wait3A_142, %dma_wait3A_143] : memref<40x2x128xi32, #tpu.memory_space<vmem>> -> memref<1x1x128xi32, #tpu.memory_space<vmem>>
          %dma_wait3A_145 = tpu.memref_squeeze %dma_wait3A_144 : memref<1x1x128xi32, #tpu.memory_space<vmem>> -> memref<128xi32, #tpu.memory_space<vmem>>
          %dma_wait3A_146 = arith.constant 0 : i32
          %dma_wait3A_147 = arith.constant 0 : i32
          %dma_wait3A_148 = tpu.memref_slice %arg8[%dma_wait3A_146, %dma_wait3A_147] : memref<10240x128xf32, #tpu.memory_space<vmem_shared>> -> memref<10240x128xf32, #tpu.memory_space<vmem_shared>>
          tpu.wait_indirect_dma semaphore(%arg11 : memref<!tpu.dma_semaphore, #tpu.memory_space<semaphore_mem>>) src(%arg6 : memref<128x128xf32, #tpu.memory_space<vmem>>) dst(%dma_wait3A_148 : memref<10240x128xf32, #tpu.memory_space<vmem_shared>>)
          %add3A_149 = arith.constant 2 : i32
          %add3A_150 = arith.addi %add3A_106, %add3A_149 : i32
          %dma_start3A_151 = arith.constant 0 : i32
          %dma_start3A_152 = arith.constant 0 : i32
          %dma_start3A_153 = tpu.memref_slice %arg5[%add3A_150, %dma_start3A_151, %dma_start3A_152] : memref<40x2x128xi32, #tpu.memory_space<vmem>> -> memref<1x1x128xi32, #tpu.memory_space<vmem>>
          %dma_start3A_154 = tpu.memref_squeeze %dma_start3A_153 : memref<1x1x128xi32, #tpu.memory_space<vmem>> -> memref<128xi32, #tpu.memory_space<vmem>>
          %dma_start3A_155 = arith.constant 0 : i32
          %dma_start3A_156 = arith.constant 0 : i32
          %dma_start3A_157 = tpu.memref_slice %arg3[%dma_start3A_155, %dma_start3A_156] : memref<10000x128xf32, #tpu.memory_space<hbm>> -> memref<10000x128xf32, #tpu.memory_space<hbm>>
          tpu.enqueue_indirect_dma source(%dma_start3A_157 : memref<10000x128xf32, #tpu.memory_space<hbm>>) target(%arg6 : memref<128x128xf32, #tpu.memory_space<vmem>>) offsets(%dma_start3A_154 : memref<128xi32, #tpu.memory_space<vmem>>) semaphore(%arg9 : memref<!tpu.dma_semaphore, #tpu.memory_space<semaphore_mem>>)
          %dma_wait3A_158 = arith.constant 1 : i32
          %dma_wait3A_159 = arith.constant 0 : i32
          %dma_wait3A_160 = tpu.memref_slice %arg5[%add3A_108, %dma_wait3A_158, %dma_wait3A_159] : memref<40x2x128xi32, #tpu.memory_space<vmem>> -> memref<1x1x128xi32, #tpu.memory_space<vmem>>
          %dma_wait3A_161 = tpu.memref_squeeze %dma_wait3A_160 : memref<1x1x128xi32, #tpu.memory_space<vmem>> -> memref<128xi32, #tpu.memory_space<vmem>>
          %dma_wait3A_162 = arith.constant 0 : i32
          %dma_wait3A_163 = arith.constant 0 : i32
          %dma_wait3A_164 = tpu.memref_slice %arg8[%dma_wait3A_162, %dma_wait3A_163] : memref<10240x128xf32, #tpu.memory_space<vmem_shared>> -> memref<10240x128xf32, #tpu.memory_space<vmem_shared>>
          tpu.wait_indirect_dma semaphore(%arg12 : memref<!tpu.dma_semaphore, #tpu.memory_space<semaphore_mem>>) src(%arg7 : memref<128x128xf32, #tpu.memory_space<vmem>>) dst(%dma_wait3A_164 : memref<10240x128xf32, #tpu.memory_space<vmem_shared>>)
          %add3A_165 = arith.constant 2 : i32
          %add3A_166 = arith.addi %add3A_108, %add3A_165 : i32
          %dma_start3A_167 = arith.constant 0 : i32
          %dma_start3A_168 = arith.constant 0 : i32
          %dma_start3A_169 = tpu.memref_slice %arg5[%add3A_166, %dma_start3A_167, %dma_start3A_168] : memref<40x2x128xi32, #tpu.memory_space<vmem>> -> memref<1x1x128xi32, #tpu.memory_space<vmem>>
          %dma_start3A_170 = tpu.memref_squeeze %dma_start3A_169 : memref<1x1x128xi32, #tpu.memory_space<vmem>> -> memref<128xi32, #tpu.memory_space<vmem>>
          %dma_start3A_171 = arith.constant 0 : i32
          %dma_start3A_172 = arith.constant 0 : i32
          %dma_start3A_173 = tpu.memref_slice %arg3[%dma_start3A_171, %dma_start3A_172] : memref<10000x128xf32, #tpu.memory_space<hbm>> -> memref<10000x128xf32, #tpu.memory_space<hbm>>
          tpu.enqueue_indirect_dma source(%dma_start3A_173 : memref<10000x128xf32, #tpu.memory_space<hbm>>) target(%arg7 : memref<128x128xf32, #tpu.memory_space<vmem>>) offsets(%dma_start3A_170 : memref<128xi32, #tpu.memory_space<vmem>>) semaphore(%arg10 : memref<!tpu.dma_semaphore, #tpu.memory_space<semaphore_mem>>)
        } else {
        }
      }
      %scan3A_81 = arith.constant 19 : i32
      %dma_wait3A_82 = arith.constant 38 : i32
      %dma_wait3A_83 = arith.constant 1 : i32
      %dma_wait3A_84 = arith.constant 0 : i32
      %dma_wait3A_85 = tpu.memref_slice %arg5[%dma_wait3A_82, %dma_wait3A_83, %dma_wait3A_84] : memref<40x2x128xi32, #tpu.memory_space<vmem>> -> memref<1x1x128xi32, #tpu.memory_space<vmem>>
      %dma_wait3A_86 = tpu.memref_squeeze %dma_wait3A_85 : memref<1x1x128xi32, #tpu.memory_space<vmem>> -> memref<128xi32, #tpu.memory_space<vmem>>
      %dma_wait3A_87 = arith.constant 0 : i32
      %dma_wait3A_88 = arith.constant 0 : i32
      %dma_wait3A_89 = tpu.memref_slice %arg8[%dma_wait3A_87, %dma_wait3A_88] : memref<10240x128xf32, #tpu.memory_space<vmem_shared>> -> memref<10240x128xf32, #tpu.memory_space<vmem_shared>>
      tpu.wait_indirect_dma semaphore(%arg11 : memref<!tpu.dma_semaphore, #tpu.memory_space<semaphore_mem>>) src(%arg6 : memref<128x128xf32, #tpu.memory_space<vmem>>) dst(%dma_wait3A_89 : memref<10240x128xf32, #tpu.memory_space<vmem_shared>>)
      %dma_wait3A_90 = arith.constant 39 : i32
      %dma_wait3A_91 = arith.constant 1 : i32
      %dma_wait3A_92 = arith.constant 0 : i32
      %dma_wait3A_93 = tpu.memref_slice %arg5[%dma_wait3A_90, %dma_wait3A_91, %dma_wait3A_92] : memref<40x2x128xi32, #tpu.memory_space<vmem>> -> memref<1x1x128xi32, #tpu.memory_space<vmem>>
      %dma_wait3A_94 = tpu.memref_squeeze %dma_wait3A_93 : memref<1x1x128xi32, #tpu.memory_space<vmem>> -> memref<128xi32, #tpu.memory_space<vmem>>
      %dma_wait3A_95 = arith.constant 0 : i32
      %dma_wait3A_96 = arith.constant 0 : i32
      %dma_wait3A_97 = tpu.memref_slice %arg8[%dma_wait3A_95, %dma_wait3A_96] : memref<10240x128xf32, #tpu.memory_space<vmem_shared>> -> memref<10240x128xf32, #tpu.memory_space<vmem_shared>>
      tpu.wait_indirect_dma semaphore(%arg12 : memref<!tpu.dma_semaphore, #tpu.memory_space<semaphore_mem>>) src(%arg7 : memref<128x128xf32, #tpu.memory_space<vmem>>) dst(%dma_wait3A_97 : memref<10240x128xf32, #tpu.memory_space<vmem_shared>>)
    } else {
    }
    %barrier3A_55 = arith.constant 0 : index
    tpu.barrier barrier_id(%barrier3A_55)
    %mul3A_56 = arith.constant 640 : i32
    %mul3A_57 = arith.muli %arg1, %mul3A_56 : i32
    "tpu.region"() ({
      %run_scoped3A = tpu.sem_alloc : memref<!tpu.dma_semaphore, #tpu.memory_space<semaphore_mem>>
      %dma_start3A_58 = arith.constant 0 : i32
      %dma_start3A_59 = arith.constant 0 : i32
      %dma_start3A_60 = tpu.memref_slice %arg4[%arg0, %dma_start3A_58, %dma_start3A_59] : memref<2x10240x128xf32, #tpu.memory_space<hbm>> -> memref<1x10240x128xf32, #tpu.memory_space<hbm>>
      %dma_start3A_61 = tpu.memref_squeeze %dma_start3A_60 : memref<1x10240x128xf32, #tpu.memory_space<hbm>> -> memref<10240x128xf32, #tpu.memory_space<hbm>>
      %dma_start3A_62 = arith.constant 0 : i32
      %dma_start3A_63 = tpu.memref_slice %dma_start3A_61[%mul3A_57, %dma_start3A_62] : memref<10240x128xf32, #tpu.memory_space<hbm>> -> memref<640x128xf32, #tpu.memory_space<hbm>>
      %dma_start3A_64 = arith.constant 0 : i32
      %dma_start3A_65 = tpu.memref_slice %arg8[%mul3A_57, %dma_start3A_64] : memref<10240x128xf32, #tpu.memory_space<vmem_shared>> -> memref<640x128xf32, #tpu.memory_space<vmem_shared>>
      tpu.enqueue_dma source(%dma_start3A_65 : memref<640x128xf32, #tpu.memory_space<vmem_shared>>) target(%dma_start3A_63 : memref<640x128xf32, #tpu.memory_space<hbm>>) target_semaphore(%run_scoped3A : memref<!tpu.dma_semaphore, #tpu.memory_space<semaphore_mem>>)
      %dma_wait3A_66 = arith.constant 0 : i32
      %dma_wait3A_67 = arith.constant 0 : i32
      %dma_wait3A_68 = tpu.memref_slice %arg4[%arg0, %dma_wait3A_66, %dma_wait3A_67] : memref<2x10240x128xf32, #tpu.memory_space<hbm>> -> memref<1x10240x128xf32, #tpu.memory_space<hbm>>
      %dma_wait3A_69 = tpu.memref_squeeze %dma_wait3A_68 : memref<1x10240x128xf32, #tpu.memory_space<hbm>> -> memref<10240x128xf32, #tpu.memory_space<hbm>>
      %dma_wait3A_70 = arith.constant 0 : i32
      %dma_wait3A_71 = tpu.memref_slice %dma_wait3A_69[%mul3A_57, %dma_wait3A_70] : memref<10240x128xf32, #tpu.memory_space<hbm>> -> memref<640x128xf32, #tpu.memory_space<hbm>>
      %dma_wait3A_72 = arith.constant 0 : i32
      %dma_wait3A_73 = tpu.memref_slice %arg8[%mul3A_57, %dma_wait3A_72] : memref<10240x128xf32, #tpu.memory_space<vmem_shared>> -> memref<640x128xf32, #tpu.memory_space<vmem_shared>>
      tpu.wait_dma2 semaphore(%run_scoped3A : memref<!tpu.dma_semaphore, #tpu.memory_space<semaphore_mem>>) src(%dma_wait3A_73 : memref<640x128xf32, #tpu.memory_space<vmem_shared>>) dst(%dma_wait3A_71 : memref<640x128xf32, #tpu.memory_space<hbm>>)
      tpu.yield
    }) : () -> ()
    return
  }
}

module attributes {stable_mosaic.version = 14 : i64} {
  func.func @_out_body(%arg0: i32, %arg1: memref<2x1000x16xf32, #tpu.memory_space<vmem>>, %arg2: memref<2x1000x128xf32, #tpu.memory_space<vmem>>, %arg3: memref<1x128xf32, #tpu.memory_space<vmem>>, %arg4: memref<1000x128xf32, #tpu.memory_space<vmem>>) attributes {dimension_semantics = [#tpu.dimension_semantics<arbitrary>], iteration_bounds = array<i64: 10>, scalar_prefetch = 0 : i64, scratch_operands = 0 : i64, tpu.core_type = #tpu.core_type<tc>, window_params = [{transform_indices = @transform_0, window_bounds = array<i64: 2, 1000, 16>}, {transform_indices = @transform_1, window_bounds = array<i64: 2, 1000, 128>}, {pipeline_mode = #tpu.pipeline_mode<synchronous>, transform_indices = @transform_2, window_bounds = array<i64: 1, 128>}, {transform_indices = @transform_3, window_bounds = array<i64: 1000, 128>}]} {
    %get3A = arith.constant 0 : index
    %get3A_0 = arith.constant 0 : index
    %get3A_1 = arith.constant 0 : index
    %get3A_2 = vector.load %arg2[%get3A, %get3A_0, %get3A_1] : memref<2x1000x128xf32, #tpu.memory_space<vmem>>, vector<1x1000x128xf32>
    %get3A_3 = vector.shape_cast %get3A_2 : vector<1x1000x128xf32> to vector<1000x128xf32>
    %get3A_4 = arith.constant 1 : index
    %get3A_5 = arith.constant 0 : index
    %get3A_6 = arith.constant 0 : index
    %get3A_7 = vector.load %arg2[%get3A_4, %get3A_5, %get3A_6] : memref<2x1000x128xf32, #tpu.memory_space<vmem>>, vector<1x1000x128xf32>
    %get3A_8 = vector.shape_cast %get3A_7 : vector<1x1000x128xf32> to vector<1000x128xf32>
    %add3A = arith.addf %get3A_3, %get3A_8 : vector<1000x128xf32>
    %get3A_9 = arith.constant 0 : index
    %get3A_10 = arith.constant 0 : index
    %get3A_11 = arith.constant 0 : index
    %get3A_12 = vector.load %arg1[%get3A_9, %get3A_10, %get3A_11] : memref<2x1000x16xf32, #tpu.memory_space<vmem>>, vector<1x1000x1xf32>
    %get3A_13 = vector.shape_cast %get3A_12 : vector<1x1000x1xf32> to vector<1000x1xf32>
    %get3A_14 = arith.constant 1 : index
    %get3A_15 = arith.constant 0 : index
    %get3A_16 = arith.constant 0 : index
    %get3A_17 = vector.load %arg1[%get3A_14, %get3A_15, %get3A_16] : memref<2x1000x16xf32, #tpu.memory_space<vmem>>, vector<1x1000x1xf32>
    %get3A_18 = vector.shape_cast %get3A_17 : vector<1x1000x1xf32> to vector<1000x1xf32>
    %add3A_19 = arith.addf %get3A_13, %get3A_18 : vector<1000x1xf32>
    %gt3A = arith.constant 0.000000e+00 : f32
    %gt3A_20 = vector.broadcast %gt3A : f32 to vector<1000x1xf32>
    %gt3A_21 = arith.cmpf ogt, %add3A_19, %gt3A_20 : vector<1000x1xf32>
    %max3A = arith.constant 1.000000e+00 : f32
    %max3A_22 = vector.broadcast %max3A : f32 to vector<1000x1xf32>
    %max3A_23 = arith.maximumf %add3A_19, %max3A_22 : vector<1000x1xf32>
    %rsqrt3A = math.rsqrt %max3A_23 : vector<1000x1xf32>
    %jit3A = arith.constant 0.000000e+00 : f32
    %broadcast_in_dim3A = vector.broadcast %jit3A : f32 to vector<1000x1xf32>
    %select_n3A = arith.select %gt3A_21, %rsqrt3A, %broadcast_in_dim3A : vector<1000x1xi1>, vector<1000x1xf32>
    %mul3A = vector.broadcast %select_n3A : vector<1000x1xf32> to vector<1000x128xf32>
    %mul3A_24 = arith.mulf %mul3A, %add3A : vector<1000x128xf32>
    %get3A_25 = arith.constant 0 : index
    %get3A_26 = arith.constant 0 : index
    %get3A_27 = vector.load %arg3[%get3A_25, %get3A_26] : memref<1x128xf32, #tpu.memory_space<vmem>>, vector<1x128xf32>
    %add3A_28 = vector.broadcast %get3A_27 : vector<1x128xf32> to vector<1000x128xf32>
    %add3A_29 = arith.addf %mul3A_24, %add3A_28 : vector<1000x128xf32>
    %max3A_30 = arith.constant 0.000000e+00 : f32
    %max3A_31 = vector.broadcast %max3A_30 : f32 to vector<1000x128xf32>
    %max3A_32 = arith.maximumf %add3A_29, %max3A_31 : vector<1000x128xf32>
    %swap3A = arith.constant 0 : index
    %swap3A_33 = arith.constant 0 : index
    %swap3A_34 = vector.load %arg4[%swap3A, %swap3A_33] : memref<1000x128xf32, #tpu.memory_space<vmem>>, vector<1000x128xf32>
    tpu.vector_store %arg4[%swap3A, %swap3A_33], %max3A_32 {strides = array<i32>} : memref<1000x128xf32, #tpu.memory_space<vmem>>, vector<1000x128xf32>,
    return
  }
  func.func @transform_0(%arg0: i32) -> (i32, i32, i32) {
    %c0_i32 = arith.constant 0 : i32
    %c0_i32_0 = arith.constant 0 : i32
    %c0_i32_1 = arith.constant 0 : i32
    return %c0_i32, %arg0, %c0_i32_0 : i32, i32, i32
  }
  func.func @transform_1(%arg0: i32) -> (i32, i32, i32) {
    %c0_i32 = arith.constant 0 : i32
    %c0_i32_0 = arith.constant 0 : i32
    %c0_i32_1 = arith.constant 0 : i32
    return %c0_i32, %arg0, %c0_i32_0 : i32, i32, i32
  }
  func.func @transform_2(%arg0: i32) -> (i32, i32) {
    %c0_i32 = arith.constant 0 : i32
    %c0_i32_0 = arith.constant 0 : i32
    %c0_i32_1 = arith.constant 0 : i32
    return %c0_i32, %c0_i32_0 : i32, i32
  }
  func.func @transform_3(%arg0: i32) -> (i32, i32) {
    %c0_i32 = arith.constant 0 : i32
    %c0_i32_0 = arith.constant 0 : i32
    return %arg0, %c0_i32 : i32, i32
  }
}

module attributes {stable_mosaic.version = 14 : i64} {
  func.func @_scale_body(%arg0: i32, %arg1: memref<2x1000x16xf32, #tpu.memory_space<vmem>>, %arg2: memref<1000x128xf32, #tpu.memory_space<vmem>>, %arg3: memref<128x128xf32, #tpu.memory_space<vmem>>, %arg4: memref<1000x128xf32, #tpu.memory_space<vmem>>) attributes {dimension_semantics = [#tpu.dimension_semantics<arbitrary>], iteration_bounds = array<i64: 10>, scalar_prefetch = 0 : i64, scratch_operands = 0 : i64, tpu.core_type = #tpu.core_type<tc>, window_params = [{transform_indices = @transform_0, window_bounds = array<i64: 2, 1000, 16>}, {transform_indices = @transform_1, window_bounds = array<i64: 1000, 128>}, {pipeline_mode = #tpu.pipeline_mode<synchronous>, transform_indices = @transform_2, window_bounds = array<i64: 128, 128>}, {transform_indices = @transform_3, window_bounds = array<i64: 1000, 128>}]} {
    %get3A = arith.constant 0 : index
    %get3A_0 = arith.constant 0 : index
    %get3A_1 = vector.load %arg2[%get3A, %get3A_0] : memref<1000x128xf32, #tpu.memory_space<vmem>>, vector<1000x128xf32>
    %get3A_2 = arith.constant 0 : index
    %get3A_3 = arith.constant 0 : index
    %get3A_4 = vector.load %arg3[%get3A_2, %get3A_3] : memref<128x128xf32, #tpu.memory_space<vmem>>, vector<128x128xf32>
    %dot_general3A = arith.constant dense<0.000000e+00> : vector<1000x128xf32>
    %dot_general3A_5 = tpu.matmul %get3A_1, %get3A_4, %dot_general3A {dimension_numbers = #tpu.dot_dimension_numbers<[1], [0], [0], [1], [0, 0, 1, 1], [], []>, transpose_lhs_hint = false} : vector<1000x128xf32>, vector<128x128xf32>, vector<1000x128xf32> -> vector<1000x128xf32>
    %get3A_6 = arith.constant 0 : index
    %get3A_7 = arith.constant 0 : index
    %get3A_8 = arith.constant 0 : index
    %get3A_9 = vector.load %arg1[%get3A_6, %get3A_7, %get3A_8] : memref<2x1000x16xf32, #tpu.memory_space<vmem>>, vector<1x1000x1xf32>
    %get3A_10 = vector.shape_cast %get3A_9 : vector<1x1000x1xf32> to vector<1000x1xf32>
    %get3A_11 = arith.constant 1 : index
    %get3A_12 = arith.constant 0 : index
    %get3A_13 = arith.constant 0 : index
    %get3A_14 = vector.load %arg1[%get3A_11, %get3A_12, %get3A_13] : memref<2x1000x16xf32, #tpu.memory_space<vmem>>, vector<1x1000x1xf32>
    %get3A_15 = vector.shape_cast %get3A_14 : vector<1x1000x1xf32> to vector<1000x1xf32>
    %add3A = arith.addf %get3A_10, %get3A_15 : vector<1000x1xf32>
    %gt3A = arith.constant 0.000000e+00 : f32
    %gt3A_16 = vector.broadcast %gt3A : f32 to vector<1000x1xf32>
    %gt3A_17 = arith.cmpf ogt, %add3A, %gt3A_16 : vector<1000x1xf32>
    %max3A = arith.constant 1.000000e+00 : f32
    %max3A_18 = vector.broadcast %max3A : f32 to vector<1000x1xf32>
    %max3A_19 = arith.maximumf %add3A, %max3A_18 : vector<1000x1xf32>
    %rsqrt3A = math.rsqrt %max3A_19 : vector<1000x1xf32>
    %jit3A = arith.constant 0.000000e+00 : f32
    %broadcast_in_dim3A = vector.broadcast %jit3A : f32 to vector<1000x1xf32>
    %select_n3A = arith.select %gt3A_17, %rsqrt3A, %broadcast_in_dim3A : vector<1000x1xi1>, vector<1000x1xf32>
    %mul3A = vector.broadcast %select_n3A : vector<1000x1xf32> to vector<1000x128xf32>
    %mul3A_20 = arith.mulf %mul3A, %dot_general3A_5 : vector<1000x128xf32>
    %swap3A = arith.constant 0 : index
    %swap3A_21 = arith.constant 0 : index
    %swap3A_22 = vector.load %arg4[%swap3A, %swap3A_21] : memref<1000x128xf32, #tpu.memory_space<vmem>>, vector<1000x128xf32>
    tpu.vector_store %arg4[%swap3A, %swap3A_21], %mul3A_20 {strides = array<i32>} : memref<1000x128xf32, #tpu.memory_space<vmem>>, vector<1000x128xf32>,
    return
  }
  func.func @transform_0(%arg0: i32) -> (i32, i32, i32) {
    %c0_i32 = arith.constant 0 : i32
    %c0_i32_0 = arith.constant 0 : i32
    %c0_i32_1 = arith.constant 0 : i32
    return %c0_i32, %arg0, %c0_i32_0 : i32, i32, i32
  }
  func.func @transform_1(%arg0: i32) -> (i32, i32) {
    %c0_i32 = arith.constant 0 : i32
    %c0_i32_0 = arith.constant 0 : i32
    return %arg0, %c0_i32 : i32, i32
  }
  func.func @transform_2(%arg0: i32) -> (i32, i32) {
    %c0_i32 = arith.constant 0 : i32
    %c0_i32_0 = arith.constant 0 : i32
    %c0_i32_1 = arith.constant 0 : i32
    return %c0_i32, %c0_i32_0 : i32, i32
  }
  func.func @transform_3(%arg0: i32) -> (i32, i32) {
    %c0_i32 = arith.constant 0 : i32
    %c0_i32_0 = arith.constant 0 : i32
    return %arg0, %c0_i32 : i32, i32
  }
}

</mosaic_0001>

<sc_bundles>
// kernel: kernel.6.cloned.1.call-start
scs
__scs_entry_jumppad:
0x0: {  	(pc) =	sbr.rel $0x88, $3  }
0x1: {  	(tag) =	ssettag $0x0;
	lr =	simm.s32 $0x1  }
0x2: {  	[smem:$0x3F9D] =	sst lr;
	_ =	strace $0xD0000000  }
0x3: {  	_ = 	snop  }
0x4: {  	_ = 	snop  }
0x5: {  	_ = 	snop  }
0x6: {  	_ = 	snop  }
0x7: {  	_ = 	snop  }
__scs_overlays_trampoline_lowered:
0x8: {  	[smem:$0x3FAC] =	sst s0  }
0x9: {  	[smem:$0x3FAD] =	sst s1  }
0xa: {  	[smem:$0x3FAE] =	sst s2  }
0xb: {  	[smem:$0x3FAF] =	sst s3  }
0xc: {  	[smem:$0x3FB0] =	sst s4  }
0xd: {  	[smem:$0x3FB1] =	sst s5  }
0xe: {  	[smem:$0x3FB2] =	sst s6  }
0xf: {  	[smem:$0x3FB3] =	sst s7  }
0x10: {  	[smem:$0x3FB4] =	sst s8  }
0x11: {  	[smem:$0x3FB5] =	sst s9;
	s0 =	simm.s32 @!p0 $0x0  }
0x12: {  	s1 =	sld [smem:$0x3F9B];
	s0 =	simm.s32 @p0 $0x1  }
0x13: {  	[smem:$0x3FB6] =	sst s0;
	s0 =	simm.s32 @!p1 $0x0  }
0x14: {  	s2 =	sld [smem:$0x3F9A];
	s0 =	simm.s32 @p1 $0x1  }
0x15: {  	[smem:$0x3FB7] =	sst s0;
	s0 =	simm.s32 @!p2 $0x0  }
0x16: {  	s3 =	sld [smem:$0x3FDB];
	s0 =	simm.s32 @p2 $0x1  }
0x17: {  	s4 =	simm.s32 $0x1BF5;
	[smem:$0x3FB9] =	sst s0  }
0x18: {  	s0 =	sld [smem:$0x3F9C];
	_ =	swait.ge [sflag:s4], $0x0  }
0x19: {  	s7 =	sld [smem:$0x3F9D]  }
0x1a: {  	s8 =	sadd.s32 $0xFFFFE003, lr  }
0x1b: {  	s9 =	sadd.s32 $0xFFFFFEF7, lr;
	s5 =	simm.s32 $0xFFFFFFFF;
	p2 =	slt.u32 s8, $0xFFFFF086  }
0x1c: {  	p1 =	slt.u32 s9, $0xF7A;
	s5 =	simm.s32 @!p2 $0x0  }
0x1d: {  	s5 =	simm.s32 @p1 $0x1;
	p0 =	seq.s32 s7, s2  }
0x1e: {  	s7 =	smul.u32 @!p0 $0xF7A, s2;
	p2 =	seq.s32 @!p0 s5, $0x0  }
0x1f: {  	s9 =	smul.u32 $0xF7A, s1;
	s8 =	simm.s32 @!p0 $0x1BF5;
	p2 =	por !p2, p0  }
0x20: {  	[sflag:s8] =	ssyncset.s32 @!p0 $0xFFFFF086;
	s6 =	sadd.s32 @!p0 s3, s7;
	s7 =	simm.s32 @!p0 $0x108  }
0x21: {  	s3 =	sadd.s32 s3, s9;
	s6 =	sadd.s32 @!p0 $0x88, s6;
	s7 =	simm.s32 @p2 $0x1082  }
0x22: {  	[simem:s7], [sflag:s8] =	dma.local @!p0 [hbm:s6], $0xF7A  }
0x23: {  	s9 =	sor.u32 $0xD0000000, s2;
	s6 =	simm.s32 $0x108;
	_ =	swait.ge @!p0 [sflag:s8], $0x0  }
0x24: {  	s3 =	sadd.s32 $0x88, s3;
	s6 =	simm.s32 @!p1 $0x1082;
	[sflag:s4] =	ssyncset.s32 $0xFFFFF086  }
0x25: {  	[simem:s6], [sflag:s4] =	dma.local [hbm:s3], $0xF7A  }
0x26: {  	[smem:$0x3F9D] =	sst s1;
	(tag) =	ssettag s2;
	_ =	strace s9  }
0x27: {  	s1 =	sld [smem:$0x3FAD]  }
0x28: {  	s2 =	sld [smem:$0x3FAE]  }
0x29: {  	s4 =	sld [smem:$0x3FB0]  }
0x2a: {  	p0 =	seq.s32 s5, $0x0;
	s5 =	sld [smem:$0x3FB1]  }
0x2b: {  	s6 =	sld [smem:$0x3FB2]  }
0x2c: {  	s7 =	sld [smem:$0x3FB3]  }
0x2d: {  	s3 =	simm.s32 $0x108;
	s8 =	sld [smem:$0x3FB4]  }
0x2e: {  	s3 =	simm.s32 @!p0 $0x1082;
	s9 =	sld [smem:$0x3FB5]  }
0x2f: {  	lr =	sadd.s32 s0, s3;
	s0 =	sld [smem:$0x3FAC]  }
0x30: {  	s3 =	sld [smem:$0x3FAF]  }
0x31: {  	[smem:$0x3FB8] =	sst s10  }
0x32: {  	s10 =	sld [smem:$0x3FB6];
	_ =	sdelay $0x3  }
0x33: {  	p0 =	seq.s32 s10, $0x1;
	s10 =	sld [smem:$0x3FB8];
	_ =	sdelay $0x3  }
0x34: {  	[smem:$0x3FB8] =	sst s10  }
0x35: {  	s10 =	sld [smem:$0x3FB7];
	_ =	sdelay $0x3  }
0x36: {  	p1 =	seq.s32 s10, $0x1;
	s10 =	sld [smem:$0x3FB8];
	_ =	sdelay $0x3  }
0x37: {  	[smem:$0x3FB8] =	sst s10  }
0x38: {  	s10 =	sld [smem:$0x3FB9]  }
0x39: {  	_ = 	snop;
	(pc) =	sbr.ind lr, $3  }
0x3a: {  	_ = 	snop  }
0x3b: {  	_ = 	snop  }
0x3c: {  	p2 =	seq.s32 s10, $0x1;
	s10 =	sld [smem:$0x3FB8]  }
0x3d: {  	_ =	shalt  }
0x3e: {  	_ =	shalt  }
0x3f: {  	_ =	shalt  }
0x40: {  	_ =	shalt  }
0x41: {  	_ =	shalt  }
0x42: {  	_ =	shalt  }
0x43: {  	_ =	shalt  }
0x44: {  	_ =	shalt  }
0x45: {  	_ =	shalt  }
0x46: {  	_ =	shalt  }
0x47: {  	_ =	shalt  }
0x48: {  	_ =	shalt  }
0x49: {  	_ =	shalt  }
0x4a: {  	_ =	shalt  }
0x4b: {  	_ =	shalt  }
0x4c: {  	_ =	shalt  }
0x4d: {  	_ =	shalt  }
0x4e: {  	_ =	shalt  }
0x4f: {  	_ =	shalt  }
0x50: {  	_ =	shalt  }
0x51: {  	_ =	shalt  }
0x52: {  	_ =	shalt  }
0x53: {  	_ =	shalt  }
0x54: {  	_ =	shalt  }
0x55: {  	_ =	shalt  }
0x56: {  	_ =	shalt  }
0x57: {  	_ =	shalt  }
0x58: {  	_ =	shalt  }
0x59: {  	_ =	shalt  }
0x5a: {  	_ =	shalt  }
0x5b: {  	_ =	shalt  }
0x5c: {  	_ =	shalt  }
0x5d: {  	_ =	shalt  }
0x5e: {  	_ =	shalt  }
0x5f: {  	_ =	shalt  }
0x60: {  	_ =	shalt  }
0x61: {  	_ =	shalt  }
0x62: {  	_ =	shalt  }
0x63: {  	_ =	shalt  }
0x64: {  	_ =	shalt  }
0x65: {  	_ =	shalt  }
0x66: {  	_ =	shalt  }
0x67: {  	_ =	shalt  }
0x68: {  	_ =	shalt  }
0x69: {  	_ =	shalt  }
0x6a: {  	_ =	shalt  }
0x6b: {  	_ =	shalt  }
0x6c: {  	_ =	shalt  }
0x6d: {  	_ =	shalt  }
0x6e: {  	_ =	shalt  }
0x6f: {  	_ =	shalt  }
0x70: {  	_ =	shalt  }
0x71: {  	_ =	shalt  }
0x72: {  	_ =	shalt  }
0x73: {  	_ =	shalt  }
0x74: {  	_ =	shalt  }
0x75: {  	_ =	shalt  }
0x76: {  	_ =	shalt  }
0x77: {  	_ =	shalt  }
0x78: {  	_ =	shalt  }
0x79: {  	_ =	shalt  }
0x7a: {  	_ =	shalt  }
0x7b: {  	_ =	shalt  }
0x7c: {  	_ =	shalt  }
0x7d: {  	_ =	shalt  }
0x7e: {  	_ =	shalt  }
0x7f: {  	_ =	shalt  }
0x80: {  	_ =	shalt  }
0x81: {  	_ =	shalt  }
0x82: {  	_ =	shalt  }
0x83: {  	_ =	shalt  }
0x84: {  	_ =	shalt  }
0x85: {  	_ =	shalt  }
0x86: {  	_ =	shalt  }
0x87: {  	_ =	shalt  }
.Lfunc_end0:
.L_simem_size_0:
called_computation_lowered:
.L_overlay_start_0:
0x88: {  	s2 =	sld [smem:$0x3FD9]  }
0x89: {  	s3 =	sld [smem:$0x3FFE];
	_ =	sdelay $0x1  }
0x8a: {  	s1 =	srdreg.scid  }
0x8b: {  	s0 =	sand.u32 $0x1, s1  }
0x8c: {  	s18 =	sshll.u32 s0, $0xA;
	s2 =	sadd.s32 s3, s2  }
0x8d: {  	s2 =	sadd.s32 s2, s18  }
0x8e: {  	[smem:$0x3FC4] =	sst s2  }
0x8f: {  	_ = 	snop  }
0x90: {  	s2 =	sld [smem:$0x3FC8]  }
0x91: {  	s19 =	sld [smem:$0x3FD0];
	(tm) =	ssettm $0x1  }
0x92: {  	s4 =	sld [smem:$0x3FFB];
	_ =	sdelay $0x3  }
0x93: {  	_ =	strace s4  }
0x94: {  	s4 =	sld [smem:$0x3FFC];
	_ =	sdelay $0x3  }
0x95: {  	_ =	strace s4  }
0x96: {  	s4 =	sld [smem:$0x3FFD];
	_ =	sdelay $0x3  }
0x97: {  	_ =	strace s4  }
0x98: {  	_ =	strace $0x8FFFFFFF  }
0x99: {  	s20 =	sld [smem:$0x3FDB];
	_ =	sdelay $0x1  }
0x9a: {  	s5 =	simm.s32 $_scs_section_size  }
0x9b: {  	s6 =	simm.s32 $_size__tile_overlayer_lowered;
	s7 =	simm.s32 $_tile_overlayer_lowered  }
0x9c: {  	s23 =	simm.s32 $0x1BFF;
	s22 =	sshll.u32 s7, $0x1;
	s4 =	sadd.s32 s5, s20  }
0x9d: {  	s8 =	simm.s32 $0x0;
	s21 =	sshll.u32 s6, $0x1;
	s6 =	sadd.s32 s22, s4  }
0x9e: {  	[timem:s8], [sflag:s23] =	dma.local [hbm:s6], s21  }
0x9f: {  	_ =	swait.ge [sflag:s23], s21  }
0xa0: {  	s5 =	ssub.s32 $0x0, s21;
	[sflag:s23] =	ssyncset.done $0x0  }
0xa1: {  	[sflag:s23] =	ssyncadd.s32 s5;
	_ =	sdelay $0x1  }
0xa2: {  	s24 =	simm.s32 $0x1B8B  }
0xa3: {  	_ =	swait.ge [sflag:s24], $0x1  }
0xa4: {  	[sflag:s24] =	ssyncset.done $0x0  }
0xa5: {  	s25 =	simm.s32 $0x1B8E;
	[sflag:s24] =	ssyncadd.s32 $0xFFFFFFFF  }
0xa6: {  	s26 =	simm.s32 $execute0_lowered;
	[smem:$0x3FD2] =	sst s25  }
0xa7: {  	s5 =	sshll.u32 s26, $0x1;
	_ =	strace $0x80000046;
	[dreg:$0x1] =	wrdreg $0xFFFFFFFF  }
0xa8: {  	s28 =	simm.s32 $_size_execute0_lowered;
	s4 =	sadd.s32 s4, s5;
	[dreg:$0x0] =	wrdreg $0x0  }
0xa9: {  	s5 =	sshll.u32 s28, $0x1;
	[dreg:$0x2] =	wrdreg s4  }
0xaa: {  	[dreg:$0x3] =	wrdreg s5  }
0xab: {  	[dreg:$0x4] =	wrdreg $0xC0  }
0xac: {  	_ =	task [dreg:s8], $0x5FFFF  }
0xad: {  	[dreg:$0x1] =	wrdreg $0xFFFFFFFF  }
0xae: {  	[dreg:$0x0] =	wrdreg $0x60  }
0xaf: {  	[dreg:$0x2] =	wrdreg s2  }
0xb0: {  	[dreg:$0x3] =	wrdreg s19  }
0xb1: {  	[dreg:$0x4] =	wrdreg $0x5F000  }
0xb2: {  	[dreg:$0x5] =	wrdreg $0x9  }
0xb3: {  	_ =	task.clear_ibuf [dreg:s8], $0x6FFFF;
	_ =	strace $0x90000046  }
0xb4: {  	s29 =	simm.s32 $0x9;
	_ =	strace $0x80000048  }
0xb5: {  	_ =	swait.ge [sflag:s29], $0x1  }
0xb6: {  	[sflag:s29] =	ssyncadd.s32 $0xFFFFFFFF  }
0xb7: {  	_ =	strace $0x90000048  }
0xb8: {  	_ =	sfence  }
0xb9: {  	s30 =	sld [smem:$0x0];
	_ =	sdelay $0x2  }
0xba: {  	s31 =	sshll.u32 s1, $0xD;
	s1 =	sshrl.u32 s1, $0x2  }
0xbb: {  	s3 =	sand.u32 $0x4000, s31;
	s1 =	sadd.s32 s1, s30  }
0xbc: {  	s0 =	sor.u32 s3, s0;
	s1 =	sshll.u32 s1, $0x11  }
0xbd: {  	s0 =	sor.u32 s1, s0  }
0xbe: {  	s0 =	sadd.s32 $0x8F2B, s0  }
0xbf: {  	[sflag:s0] =	ssyncadd.remote.s32 $0x1  }
0xc0: {  	_ =	sfence.sel $0xFFFF  }
0xc1: {  	[dreg:$0x0] =	wrdreg $0xFFFFFFFF;
	(pc) =	sbr.abs _section_cstart, $3  }
0xc2: {  	[dreg:$0x1] =	wrdreg $0xFFFFFFFF  }
0xc3: {  	_ =	task.clear_ibuf [dreg:s8], $0x2FFFF;
	_ =	strace $0x9FFFFFFF  }
0xc4: {  	(tm) =	ssettm $0x7FFFFFFF  }
0xc5: {  	_ =	shalt  }
tec
execute0_lowered:
.L_overlay_start_1:
0x0: {  	(tag) =	ssettag $0x1  }
0x1: {  	s4 =	rddreg [dreg:$0x0]  }
0x2: {  	s6 =	rddreg [dreg:$0x1]  }
0x3: {  	s1 =	rddreg [dreg:$0x2];
	s2 =	srdreg.scid  }
0x4: {  	s0 =	rddreg [dreg:$0x3];
	s3 =	simm.s32 $0x0;
	s13 =	simm.s32 $0x80  }
0x5: {  	s14 =	simm.s32 $0x4F00;
	s5 =	sand.u32 $0x1, s2;
	s2 =	stileid.u32  }
0x6: {  	[smem:$0x7FF] =	sst s3;
	s7 =	sshll.u32 s5, $0x4;
	s10 =	smul.u32 $0xA000, s2  }
0x7: {  	_ =	strace $0x80000047;
	s8 =	ssub.s32 $0x2, s5;
	s28 =	smul.u32 $0x5000, s5  }
0x8: {  	s31 =	smul.u32 $0x2800, s2;
	s11 =	sor.u32 s2, s7;
	s12 =	sshrl.u32 s8, $0x1  }
0x9: {  	s7 =	smul.u32 $0x4E, s11;
	s9 =	smin.u32 s11, $0x4;
	s30 =	sshrl.u32 s10, $0x2  }
0xa: {  	s8 =	ssub.s32 s8, s12;
	s15 =	sadd.s32 s6, s28;
	s16 =	sshrl.u32 s31, $0x3  }
0xb: {  	s17 =	sadd.s32 s31, s1;
	p0 =	sgt.u32 s11, $0x3;
	s11 =	simm.s32 $0x5700  }
0xc: {  	s12 =	simm.s32 $0x1;
	s5 =	sadd.s32 s30, s1;
	s6 =	smax.u32 s8, $0x1  }
0xd: {  	s15 =	sadd.s32 s16, s15;
	s16 =	sshrl.u32 s17, $0x3;
	s7 =	sadd.s32 s9, s7  }
0xe: {  	s8 =	sadd.s32 $0x1000, s5;
	s9 =	sadd.s32 $0x1800, s5;
	s29 =	sshll.u32 s7, $0x5  }
0xf: {  	v0 =	vimm.f32 $1.000000000e+00;
	v1 =	vimm.f32 $0.0e+00;
	s10 =	sadd.s32 $0x2000, s5;
	s7 =	sadd.s32 $0x800, s5;
	s4 =	sadd.s32 s4, s29  }
.LBB2_1:
0x10: {  	s17 =	simm.s32 @p0 $0x0  }
0x11: {  	[tilespmem:s17], [sflag:$0x1] =	stream.linear.gather @p0 [hbm4b:s4+s17], $0x4E00, $0x38;
	[tilespmem:$0x8700] =	vst v63  }
0x12: {  	s17 =	simm.s32 @p0 $0x1  }
0x13: {  	_ =	swait.ge @p0 [sflag:s17], $0x4E00  }
0x14: {  	[sflag:s17] =	ssyncset.done @p0 $0x0  }
0x15: {  	[sflag:s17] =	ssyncadd.s32 @p0 $0xFFFFB200;
	s17 =	simm.s32 @!p0 $0x0  }
0x16: {  	[tilespmem:s17], [sflag:$0x1] =	stream.linear.gather @!p0 [hbm4b:s4+s17], $0x4F00, $0x38;
	[tilespmem:$0x8700] =	vst v63  }
0x17: {  	s17 =	simm.s32 @!p0 $0x1  }
0x18: {  	_ =	swait.ge @!p0 [sflag:s17], $0x4F00  }
0x19: {  	[sflag:s17] =	ssyncset.done @!p0 $0x0  }
0x1a: {  	[sflag:s17] =	ssyncadd.s32 @!p0 $0xFFFFB100;
	s17 =	simm.s32 $0x0  }
.LBB2_2:
0x1b: {  	p1 =	seq.s32 s17, $0x1FC0  }
.Ltmp0:
0x1c: {  	_ = 	snop;
	(pc) =	sbr.rel @!p1 .LBB2_2-.Ltmp0, $3  }
0x1d: {  	_ =	sdelay $0x1  }
0x1e: {  	s18 =	sshra.s32 s17, $0x2  }
0x1f: {  	s17 =	sadd.s32 $0x40, s17;
	[tilespmem:s18+$0x4F00] =	vst v0  }
0x20: {  	s17 =	simm.s32 $0x40;
	s18 =	simm.s32 $0x0  }
.LBB2_4:
0x21: {  	p1 =	seq.s32 s17, $0x1FC0;
	[tilespmem:s18+$0x5700] =	vst v1;
	s18 =	smov.u32 s17;
	s17 =	sadd.s32 $0x40, s17  }
.Ltmp1:
0x22: {  	(pc) =	sbr.rel @!p1 .LBB2_4-.Ltmp1, $2  }
0x23: {  	_ =	sdelay $0x2  }
0x24: {  	s18 =	sshra.s32 s18, $0x2  }
0x25: {  	[tilespmem:s18+$0x5700] =	vst v1  }
0x26: {  	[spmem:s5] =	stream.linear.scatter [tilespmem:s11], [sflag:$0x1], $0x800, $0x38;
	[tilespmem:$0x8700] =	vst v63  }
0x27: {  	_ =	swait.ge [sflag:s12], $0x800  }
0x28: {  	[sflag:s12] =	ssyncset.done $0x0  }
0x29: {  	[sflag:s12] =	ssyncadd.s32 $0xFFFFF800  }
0x2a: {  	[spmem:s7] =	stream.linear.scatter [tilespmem:s11], [sflag:$0x1], $0x800, $0x38;
	[tilespmem:$0x8700] =	vst v63  }
0x2b: {  	_ =	swait.ge [sflag:s12], $0x800  }
0x2c: {  	[sflag:s12] =	ssyncset.done $0x0  }
0x2d: {  	[sflag:s12] =	ssyncadd.s32 $0xFFFFF800  }
0x2e: {  	[spmem:s8] =	stream.linear.scatter [tilespmem:s11], [sflag:$0x1], $0x800, $0x38;
	[tilespmem:$0x8700] =	vst v63  }
0x2f: {  	_ =	swait.ge [sflag:s12], $0x800  }
0x30: {  	[sflag:s12] =	ssyncset.done $0x0  }
0x31: {  	[sflag:s12] =	ssyncadd.s32 $0xFFFFF800  }
0x32: {  	[spmem:s9] =	stream.linear.scatter [tilespmem:s11], [sflag:$0x1], $0x800, $0x38;
	[tilespmem:$0x8700] =	vst v63  }
0x33: {  	_ =	swait.ge [sflag:s12], $0x800  }
0x34: {  	[sflag:s12] =	ssyncset.done $0x0  }
0x35: {  	[sflag:s12] =	ssyncadd.s32 $0xFFFFF800  }
0x36: {  	[spmem:s10] =	stream.linear.scatter [tilespmem:s11], [sflag:$0x1], $0x800, $0x38;
	[tilespmem:$0x8700] =	vst v63  }
0x37: {  	_ =	swait.ge [sflag:s12], $0x800  }
0x38: {  	[sflag:s12] =	ssyncset.done $0x0  }
0x39: {  	[sflag:s12] =	ssyncadd.s32 $0xFFFFF800  }
0x3a: {  	s17 =	simm.s32 $0x80;
	[bflag:$0x0] =	sbarrier.arrive $0xFFFF  }
0x3b: {  	[spmem:s1] =	stream.indirect.scatter.add.f32 [tilespmem:s14], [sflag:$0x1], $0x10, s17, s13, $0xb8;
	[tilespmem:$0x8700] =	vst v63  }
0x3c: {  	_ =	swait.ge [sflag:s12], $0x800  }
0x3d: {  	s17 =	simm.s32 $0x600;
	[sflag:s12] =	ssyncset.done $0x0  }
.LBB2_6:
0x3e: {  	s18 =	sshra.s32 s17, $0x2;
	[sflag:s12] =	ssyncadd.s32 $0xFFFFF800;
	p1 =	sne.s32 s17, $0x13600  }
0x3f: {  	[spmem:s1] =	stream.indirect.scatter.add.f32 [tilespmem:s14], [sflag:$0x1], $0x10, s18, s13, $0xb8;
	[tilespmem:$0x8700] =	vst v63  }
.Ltmp2:
0x40: {  	_ = 	snop;
	(pc) =	sbr.rel @p1 .LBB2_6-.Ltmp2, $4  }
0x41: {  	_ = 	snop  }
0x42: {  	s17 =	sadd.s32 $0x400, s17  }
0x43: {  	_ =	swait.ge [sflag:s12], $0x800  }
0x44: {  	[sflag:s12] =	ssyncset.done $0x0  }
0x45: {  	[sflag:s12] =	ssyncadd.s32 $0xFFFFF800  }
0x46: {  	s17 =	simm.s32 @!p0 $0x80;
	s18 =	simm.s32 @!p0 $0x4E80;
	s19 =	simm.s32 @!p0 $0x4F00  }
0x47: {  	[spmem:s1] =	stream.indirect.scatter.add.f32 @!p0 [tilespmem:s19], [sflag:$0x1], $0x10, s18, s17, $0xb8;
	[tilespmem:$0x8700] =	vst v63  }
0x48: {  	s17 =	simm.s32 @!p0 $0x1  }
0x49: {  	_ =	swait.ge @!p0 [sflag:s17], $0x800  }
0x4a: {  	s3 =	sadd.s32 $0x1, s3;
	[sflag:s17] =	ssyncset.done @!p0 $0x0  }
0x4b: {  	s31 =	sshll.u32 s2, $0x6;
	p1 =	sne.s32 s3, s6;
	[sflag:s17] =	ssyncadd.s32 @!p0 $0xFFFFF800  }
.Ltmp3:
0x4c: {  	s17 =	sor.u32 $0x1C01, s31;
	[bflag:$0x0] =	sbarrier.arrive $0xFFFF;
	(pc) =	sbr.rel @p1 .LBB2_1-.Ltmp3, $4  }
0x4d: {  	[hbm:s15], [sflag:s17] =	dma.local [spmem:s16], $0x500  }
0x4e: {  	_ =	swait.ge [sflag:s12], $0x500  }
0x4f: {  	[sflag:s12] =	ssyncset.done $0x0  }
0x50: {  	[sflag:s12] =	ssyncadd.s32 $0xFFFFFB00  }
0x51: {  	_ =	sfence.sel $0x180000  }
0x52: {  	[bflag:$0x0] =	sbarrier.arrive $0xFFFF  }
0x53: {  	p0 =	sne.s32 s2, $0x0;
	_ =	strace $0x90000047  }
0x54: {  	s0 =	sadd.s32 @!p0 $0x100000, s0;
	[bflag:$0x2] =	sbarrier.arrive $0xFFFF  }
0x55: {  	[sflag:s0] =	ssyncadd.tile.s32 @!p0 $0x1;
	_ =	shalt  }
.Lfunc_end2:
_tile_overlayer_lowered:
.L_overlay_start_2:
0x56: {  	(tag) =	ssettag $0x2  }
0x57: {  	s0 =	rddreg [dreg:$0x0];
	s2 =	stileid.u32  }
0x58: {  	s1 =	rddreg [dreg:$0x1];
	p0 =	sne.s32 s2, $0x0  }
0x59: {  	s3 =	rddreg [dreg:$0x2];
	[bflag:$0x3] =	sbarrier.arrive $0xFFFF;
	s2 =	simm.s32 @!p0 $0x1C01  }
0x5a: {  	[timem:s3], [sflag:s2] =	dma.local @!p0 [hbm:s0], s1  }
0x5b: {  	s0 =	simm.s32 @!p0 $0x1  }
0x5c: {  	_ =	swait.ge @!p0 [sflag:s0], s1  }
0x5d: {  	s1 =	ssub.s32 @!p0 $0x0, s1;
	[sflag:s0] =	ssyncset.done @!p0 $0x0  }
0x5e: {  	[sflag:s0] =	ssyncadd.s32 @!p0 s1  }
0x5f: {  	[bflag:$0x3] =	sbarrier.arrive $0xFFFF  }
0x60: {  	_ =	shalt  }

// kernel: kernel.9.cloned.1.call-start
scs
__scs_entry_jumppad:
0x0: {  	(pc) =	sbr.rel $0x88, $3  }
0x1: {  	(tag) =	ssettag $0x0;
	lr =	simm.s32 $0x1  }
0x2: {  	[smem:$0x3F9D] =	sst lr;
	_ =	strace $0xD0000000  }
0x3: {  	_ = 	snop  }
0x4: {  	_ = 	snop  }
0x5: {  	_ = 	snop  }
0x6: {  	_ = 	snop  }
0x7: {  	_ = 	snop  }
__scs_overlays_trampoline_lowered:
0x8: {  	[smem:$0x3FAC] =	sst s0  }
0x9: {  	[smem:$0x3FAD] =	sst s1  }
0xa: {  	[smem:$0x3FAE] =	sst s2  }
0xb: {  	[smem:$0x3FAF] =	sst s3  }
0xc: {  	[smem:$0x3FB0] =	sst s4  }
0xd: {  	[smem:$0x3FB1] =	sst s5  }
0xe: {  	[smem:$0x3FB2] =	sst s6  }
0xf: {  	[smem:$0x3FB3] =	sst s7  }
0x10: {  	[smem:$0x3FB4] =	sst s8  }
0x11: {  	[smem:$0x3FB5] =	sst s9;
	s0 =	simm.s32 @!p0 $0x0  }
0x12: {  	s1 =	sld [smem:$0x3F9B];
	s0 =	simm.s32 @p0 $0x1  }
0x13: {  	[smem:$0x3FB6] =	sst s0;
	s0 =	simm.s32 @!p1 $0x0  }
0x14: {  	s2 =	sld [smem:$0x3F9A];
	s0 =	simm.s32 @p1 $0x1  }
0x15: {  	[smem:$0x3FB7] =	sst s0;
	s0 =	simm.s32 @!p2 $0x0  }
0x16: {  	s3 =	sld [smem:$0x3FDB];
	s0 =	simm.s32 @p2 $0x1  }
0x17: {  	s4 =	simm.s32 $0x1BF5;
	[smem:$0x3FB9] =	sst s0  }
0x18: {  	s0 =	sld [smem:$0x3F9C];
	_ =	swait.ge [sflag:s4], $0x0  }
0x19: {  	s7 =	sld [smem:$0x3F9D]  }
0x1a: {  	s8 =	sadd.s32 $0xFFFFE003, lr  }
0x1b: {  	s9 =	sadd.s32 $0xFFFFFEF7, lr;
	s5 =	simm.s32 $0xFFFFFFFF;
	p2 =	slt.u32 s8, $0xFFFFF086  }
0x1c: {  	p1 =	slt.u32 s9, $0xF7A;
	s5 =	simm.s32 @!p2 $0x0  }
0x1d: {  	s5 =	simm.s32 @p1 $0x1;
	p0 =	seq.s32 s7, s2  }
0x1e: {  	s7 =	smul.u32 @!p0 $0xF7A, s2;
	p2 =	seq.s32 @!p0 s5, $0x0  }
0x1f: {  	s9 =	smul.u32 $0xF7A, s1;
	s8 =	simm.s32 @!p0 $0x1BF5;
	p2 =	por !p2, p0  }
0x20: {  	[sflag:s8] =	ssyncset.s32 @!p0 $0xFFFFF086;
	s6 =	sadd.s32 @!p0 s3, s7;
	s7 =	simm.s32 @!p0 $0x108  }
0x21: {  	s3 =	sadd.s32 s3, s9;
	s6 =	sadd.s32 @!p0 $0x88, s6;
	s7 =	simm.s32 @p2 $0x1082  }
0x22: {  	[simem:s7], [sflag:s8] =	dma.local @!p0 [hbm:s6], $0xF7A  }
0x23: {  	s9 =	sor.u32 $0xD0000000, s2;
	s6 =	simm.s32 $0x108;
	_ =	swait.ge @!p0 [sflag:s8], $0x0  }
0x24: {  	s3 =	sadd.s32 $0x88, s3;
	s6 =	simm.s32 @!p1 $0x1082;
	[sflag:s4] =	ssyncset.s32 $0xFFFFF086  }
0x25: {  	[simem:s6], [sflag:s4] =	dma.local [hbm:s3], $0xF7A  }
0x26: {  	[smem:$0x3F9D] =	sst s1;
	(tag) =	ssettag s2;
	_ =	strace s9  }
0x27: {  	s1 =	sld [smem:$0x3FAD]  }
0x28: {  	s2 =	sld [smem:$0x3FAE]  }
0x29: {  	s4 =	sld [smem:$0x3FB0]  }
0x2a: {  	p0 =	seq.s32 s5, $0x0;
	s5 =	sld [smem:$0x3FB1]  }
0x2b: {  	s6 =	sld [smem:$0x3FB2]  }
0x2c: {  	s7 =	sld [smem:$0x3FB3]  }
0x2d: {  	s3 =	simm.s32 $0x108;
	s8 =	sld [smem:$0x3FB4]  }
0x2e: {  	s3 =	simm.s32 @!p0 $0x1082;
	s9 =	sld [smem:$0x3FB5]  }
0x2f: {  	lr =	sadd.s32 s0, s3;
	s0 =	sld [smem:$0x3FAC]  }
0x30: {  	s3 =	sld [smem:$0x3FAF]  }
0x31: {  	[smem:$0x3FB8] =	sst s10  }
0x32: {  	s10 =	sld [smem:$0x3FB6];
	_ =	sdelay $0x3  }
0x33: {  	p0 =	seq.s32 s10, $0x1;
	s10 =	sld [smem:$0x3FB8];
	_ =	sdelay $0x3  }
0x34: {  	[smem:$0x3FB8] =	sst s10  }
0x35: {  	s10 =	sld [smem:$0x3FB7];
	_ =	sdelay $0x3  }
0x36: {  	p1 =	seq.s32 s10, $0x1;
	s10 =	sld [smem:$0x3FB8];
	_ =	sdelay $0x3  }
0x37: {  	[smem:$0x3FB8] =	sst s10  }
0x38: {  	s10 =	sld [smem:$0x3FB9]  }
0x39: {  	_ = 	snop;
	(pc) =	sbr.ind lr, $3  }
0x3a: {  	_ = 	snop  }
0x3b: {  	_ = 	snop  }
0x3c: {  	p2 =	seq.s32 s10, $0x1;
	s10 =	sld [smem:$0x3FB8]  }
0x3d: {  	_ =	shalt  }
0x3e: {  	_ =	shalt  }
0x3f: {  	_ =	shalt  }
0x40: {  	_ =	shalt  }
0x41: {  	_ =	shalt  }
0x42: {  	_ =	shalt  }
0x43: {  	_ =	shalt  }
0x44: {  	_ =	shalt  }
0x45: {  	_ =	shalt  }
0x46: {  	_ =	shalt  }
0x47: {  	_ =	shalt  }
0x48: {  	_ =	shalt  }
0x49: {  	_ =	shalt  }
0x4a: {  	_ =	shalt  }
0x4b: {  	_ =	shalt  }
0x4c: {  	_ =	shalt  }
0x4d: {  	_ =	shalt  }
0x4e: {  	_ =	shalt  }
0x4f: {  	_ =	shalt  }
0x50: {  	_ =	shalt  }
0x51: {  	_ =	shalt  }
0x52: {  	_ =	shalt  }
0x53: {  	_ =	shalt  }
0x54: {  	_ =	shalt  }
0x55: {  	_ =	shalt  }
0x56: {  	_ =	shalt  }
0x57: {  	_ =	shalt  }
0x58: {  	_ =	shalt  }
0x59: {  	_ =	shalt  }
0x5a: {  	_ =	shalt  }
0x5b: {  	_ =	shalt  }
0x5c: {  	_ =	shalt  }
0x5d: {  	_ =	shalt  }
0x5e: {  	_ =	shalt  }
0x5f: {  	_ =	shalt  }
0x60: {  	_ =	shalt  }
0x61: {  	_ =	shalt  }
0x62: {  	_ =	shalt  }
0x63: {  	_ =	shalt  }
0x64: {  	_ =	shalt  }
0x65: {  	_ =	shalt  }
0x66: {  	_ =	shalt  }
0x67: {  	_ =	shalt  }
0x68: {  	_ =	shalt  }
0x69: {  	_ =	shalt  }
0x6a: {  	_ =	shalt  }
0x6b: {  	_ =	shalt  }
0x6c: {  	_ =	shalt  }
0x6d: {  	_ =	shalt  }
0x6e: {  	_ =	shalt  }
0x6f: {  	_ =	shalt  }
0x70: {  	_ =	shalt  }
0x71: {  	_ =	shalt  }
0x72: {  	_ =	shalt  }
0x73: {  	_ =	shalt  }
0x74: {  	_ =	shalt  }
0x75: {  	_ =	shalt  }
0x76: {  	_ =	shalt  }
0x77: {  	_ =	shalt  }
0x78: {  	_ =	shalt  }
0x79: {  	_ =	shalt  }
0x7a: {  	_ =	shalt  }
0x7b: {  	_ =	shalt  }
0x7c: {  	_ =	shalt  }
0x7d: {  	_ =	shalt  }
0x7e: {  	_ =	shalt  }
0x7f: {  	_ =	shalt  }
0x80: {  	_ =	shalt  }
0x81: {  	_ =	shalt  }
0x82: {  	_ =	shalt  }
0x83: {  	_ =	shalt  }
0x84: {  	_ =	shalt  }
0x85: {  	_ =	shalt  }
0x86: {  	_ =	shalt  }
0x87: {  	_ =	shalt  }
.Lfunc_end0:
.L_simem_size_0:
called_computation.1_lowered:
.L_overlay_start_0:
0x88: {  	s2 =	sld [smem:$0x3FD9]  }
0x89: {  	s3 =	sld [smem:$0x3FFE];
	_ =	sdelay $0x1  }
0x8a: {  	s1 =	srdreg.scid  }
0x8b: {  	s0 =	sand.u32 $0x1, s1  }
0x8c: {  	s17 =	sshll.u32 s0, $0xA;
	s2 =	sadd.s32 s3, s2  }
0x8d: {  	s2 =	sadd.s32 s2, s17  }
0x8e: {  	[smem:$0x3FC4] =	sst s2  }
0x8f: {  	_ = 	snop  }
0x90: {  	s2 =	sld [smem:$0x3FC8]  }
0x91: {  	s18 =	sld [smem:$0x3FD0];
	(tm) =	ssettm $0x1  }
0x92: {  	s4 =	sld [smem:$0x3FFB];
	_ =	sdelay $0x3  }
0x93: {  	_ =	strace s4  }
0x94: {  	s4 =	sld [smem:$0x3FFC];
	_ =	sdelay $0x3  }
0x95: {  	_ =	strace s4  }
0x96: {  	s4 =	sld [smem:$0x3FFD];
	_ =	sdelay $0x3  }
0x97: {  	_ =	strace s4  }
0x98: {  	_ =	strace $0x8FFFFFFF  }
0x99: {  	s19 =	sld [smem:$0x3FDB];
	_ =	sdelay $0x1  }
0x9a: {  	s5 =	simm.s32 $_scs_section_size  }
0x9b: {  	s6 =	simm.s32 $_size__tile_overlayer_lowered;
	s7 =	simm.s32 $_tile_overlayer_lowered  }
0x9c: {  	s22 =	simm.s32 $0x1BFF;
	s21 =	sshll.u32 s7, $0x1;
	s4 =	sadd.s32 s5, s19  }
0x9d: {  	s8 =	simm.s32 $0x0;
	s20 =	sshll.u32 s6, $0x1;
	s6 =	sadd.s32 s21, s4  }
0x9e: {  	[timem:s8], [sflag:s22] =	dma.local [hbm:s6], s20  }
0x9f: {  	_ =	swait.ge [sflag:s22], s20  }
0xa0: {  	s5 =	ssub.s32 $0x0, s20;
	[sflag:s22] =	ssyncset.done $0x0  }
0xa1: {  	[sflag:s22] =	ssyncadd.s32 s5;
	_ =	sdelay $0x1  }
0xa2: {  	s23 =	simm.s32 $0x1B8B  }
0xa3: {  	_ =	swait.ge [sflag:s23], $0x1  }
0xa4: {  	[sflag:s23] =	ssyncset.done $0x0  }
0xa5: {  	s25 =	simm.s32 $0x1B8E;
	s24 =	sld [smem:$0x3FFE];
	[sflag:s23] =	ssyncadd.s32 $0xFFFFFFFF  }
0xa6: {  	s26 =	simm.s32 $execute0_lowered;
	[smem:$0x3FD2] =	sst s25  }
0xa7: {  	s6 =	sshll.u32 s26, $0x1;
	_ =	strace $0x80000049;
	[dreg:$0x1] =	wrdreg $0xFFFFFFFF  }
0xa8: {  	s28 =	simm.s32 $_size_execute0_lowered;
	s4 =	sadd.s32 s4, s6;
	[dreg:$0x0] =	wrdreg $0x0  }
0xa9: {  	s6 =	sshll.u32 s28, $0x1;
	[dreg:$0x2] =	wrdreg s4  }
0xaa: {  	[dreg:$0x3] =	wrdreg s6  }
0xab: {  	[dreg:$0x4] =	wrdreg $0xC0  }
0xac: {  	_ =	task [dreg:s8], $0x5FFFF  }
0xad: {  	[dreg:$0x1] =	wrdreg $0xFFFFFFFF  }
0xae: {  	[dreg:$0x0] =	wrdreg $0x60  }
0xaf: {  	[dreg:$0x2] =	wrdreg s2  }
0xb0: {  	[dreg:$0x3] =	wrdreg s18  }
0xb1: {  	[dreg:$0x4] =	wrdreg s24  }
0xb2: {  	[dreg:$0x5] =	wrdreg $0xA8000  }
0xb3: {  	[dreg:$0x6] =	wrdreg $0x9  }
0xb4: {  	_ =	task.clear_ibuf [dreg:s8], $0x7FFFF;
	_ =	strace $0x90000049  }
0xb5: {  	s29 =	simm.s32 $0x9;
	_ =	strace $0x8000004B  }
0xb6: {  	_ =	swait.ge [sflag:s29], $0x1  }
0xb7: {  	[sflag:s29] =	ssyncadd.s32 $0xFFFFFFFF  }
0xb8: {  	_ =	strace $0x9000004B  }
0xb9: {  	_ =	sfence  }
0xba: {  	s30 =	sld [smem:$0x0];
	_ =	sdelay $0x2  }
0xbb: {  	s31 =	sshll.u32 s1, $0xD;
	s1 =	sshrl.u32 s1, $0x2  }
0xbc: {  	s3 =	sand.u32 $0x4000, s31;
	s1 =	sadd.s32 s1, s30  }
0xbd: {  	s0 =	sor.u32 s3, s0;
	s1 =	sshll.u32 s1, $0x11  }
0xbe: {  	s0 =	sor.u32 s1, s0  }
0xbf: {  	s0 =	sadd.s32 $0x8F2B, s0  }
0xc0: {  	[sflag:s0] =	ssyncadd.remote.s32 $0x1  }
0xc1: {  	_ =	sfence.sel $0xFFFF  }
0xc2: {  	[dreg:$0x0] =	wrdreg $0xFFFFFFFF;
	(pc) =	sbr.abs _section_cstart, $3  }
0xc3: {  	[dreg:$0x1] =	wrdreg $0xFFFFFFFF  }
0xc4: {  	_ =	task.clear_ibuf [dreg:s8], $0x2FFFF;
	_ =	strace $0x9FFFFFFF  }
0xc5: {  	(tm) =	ssettm $0x7FFFFFFF  }
tec
execute0_lowered:
.L_overlay_start_1:
0x0: {  	(tag) =	ssettag $0x1  }
0x1: {  	s1 =	rddreg [dreg:$0x0]  }
0x2: {  	s0 =	rddreg [dreg:$0x1]  }
0x3: {  	s2 =	srdreg.scid;
	s5 =	rddreg [dreg:$0x2]  }
0x4: {  	s3 =	rddreg [dreg:$0x3];
	s4 =	simm.s32 $0x0;
	s14 =	simm.s32 $0x2800  }
0x5: {  	s15 =	simm.s32 $0x5;
	s16 =	simm.s32 $0x80;
	s17 =	simm.s32 $0x100  }
0x6: {  	s18 =	simm.s32 $0x6800;
	s19 =	simm.s32 $0x1;
	s29 =	simm.s32 $0x200  }
0x7: {  	s30 =	simm.s32 $0x300;
	s6 =	sand.u32 $0x1, s2;
	s2 =	stileid.u32  }
0x8: {  	s31 =	simm.s32 $0x0;
	[smem:$0x7FF] =	sst s4;
	s8 =	smul.u32 $0x28000, s6  }
0x9: {  	s7 =	sshll.u32 s6, $0x4;
	_ =	strace $0x8000004A;
	s20 =	smul.u32 $0x50000, s2  }
0xa: {  	s6 =	ssub.s32 $0x2, s6;
	s25 =	smul.u32 $0x14000, s2;
	s22 =	sor.u32 s2, s7  }
0xb: {  	s21 =	sshrl.u32 s6, $0x1;
	s7 =	smul.u32 $0x4E, s22;
	s9 =	smin.u32 s22, $0x4  }
0xc: {  	s10 =	sadd.s32 s8, s5;
	s24 =	sshrl.u32 s20, $0x2;
	s26 =	ssub.s32 s6, s21  }
0xd: {  	s20 =	simm.s32 $0x2;
	s21 =	simm.s32 $0x3;
	p0 =	sgt.u32 s22, $0x3  }
0xe: {  	s22 =	simm.s32 $0x4;
	s6 =	sadd.s32 s24, s3;
	s24 =	sshrl.u32 s25, $0x3  }
0xf: {  	s7 =	sadd.s32 s9, s7;
	s9 =	smax.u32 s26, $0x1;
	s11 =	sadd.s32 $0x8000, s6  }
.Ltmp0:
0x10: {  	s12 =	sadd.s32 $0xC000, s6;
	s23 =	sshll.u32 s7, $0x5;
	(pc) =	sbr.rel .LBB2_1-.Ltmp0, $4  }
0x11: {  	s13 =	sadd.s32 $0x10000, s6;
	s26 =	simm.s32 $0x2780;
	s5 =	sadd.s32 s1, s23  }
0x12: {  	s23 =	sadd.s32 $0x1200, s10;
	s1 =	sadd.s32 s25, s3;
	s10 =	sadd.s32 $0x4000, s6  }
0x13: {  	s28 =	sadd.s32 $0x4C0, s5;
	s8 =	sadd.s32 $0x4E0, s5;
	s23 =	sadd.s32 s24, s23  }
0x14: {  	v0 =	vimm.f32 $0.0e+00;
	s24 =	simm.s32 $0x2680;
	s25 =	sshrl.u32 s1, $0x3;
	[dreg:$0x5] =	wrdreg s28  }
.LBB2_11:
0x15: {  	[tilespmem:s18], [sflag:$0x2] =	stream.indirect.gather [hbm4b:s0+s16], $0x80, s28, s16, $0xb8;
	[tilespmem:$0x1E800] =	vst v63  }
.LBB2_12:
0x16: {  	_ =	swait.ge [sflag:s19], $0x4000  }
0x17: {  	[sflag:s19] =	ssyncset.done $0x0  }
0x18: {  	[sflag:s19] =	ssyncadd.s32 $0xFFFFC000  }
0x19: {  	[spmem:s3] =	stream.indirect.scatter.add.f32 [tilespmem:s14], [sflag:$0x3], $0x80, s24, s16, $0xb8;
	[tilespmem:$0x1E800] =	vst v63  }
0x1a: {  	_ =	swait.ge [sflag:s20], $0x4000  }
0x1b: {  	[sflag:s20] =	ssyncset.done $0x0  }
0x1c: {  	[sflag:s20] =	ssyncadd.s32 $0xFFFFC000  }
0x1d: {  	[spmem:s3] =	stream.indirect.scatter.add.f32 [tilespmem:s18], [sflag:$0x4], $0x80, s26, s16, $0xb8;
	[tilespmem:$0x1E800] =	vst v63  }
0x1e: {  	_ =	swait.ge [sflag:s21], $0x4000  }
0x1f: {  	[sflag:s21] =	ssyncset.done $0x0  }
0x20: {  	[sflag:s21] =	ssyncadd.s32 $0xFFFFC000  }
0x21: {  	_ =	swait.ge [sflag:s22], $0x4000  }
0x22: {  	s31 =	sadd.s32 $0x1, s31;
	[sflag:s22] =	ssyncset.done $0x0  }
0x23: {  	s1 =	sshll.u32 s2, $0x6;
	p1 =	sne.s32 s31, s9;
	[sflag:s22] =	ssyncadd.s32 $0xFFFFC000  }
.Ltmp1:
0x24: {  	s1 =	sor.u32 $0x1C05, s1;
	[bflag:$0x0] =	sbarrier.arrive $0xFFFF;
	(pc) =	sbr.rel @!p1 .LBB2_13-.Ltmp1, $4  }
0x25: {  	[hbm:s23], [sflag:s1] =	dma.local [spmem:s25], $0x2800  }
0x26: {  	_ =	swait.ge [sflag:s15], $0x2800  }
0x27: {  	[sflag:s15] =	ssyncset.done $0x0  }
0x28: {  	[sflag:s15] =	ssyncadd.s32 $0xFFFFD800  }
.LBB2_1:
0x29: {  	s1 =	simm.s32 $0x0;
	s28 =	simm.s32 $0x200  }
.LBB2_2:
0x2a: {  	p1 =	sne.s32 s28, $0xFE00;
	[tilespmem:s1+$0x2870] =	vst v0  }
0x2b: {  	[tilespmem:s1+$0x2800] =	vst v0  }
0x2c: {  	[tilespmem:s1+$0x2810] =	vst v0  }
.Ltmp2:
0x2d: {  	[tilespmem:s1+$0x2820] =	vst v0;
	(pc) =	sbr.rel @p1 .LBB2_2-.Ltmp2, $4  }
0x2e: {  	[tilespmem:s1+$0x2830] =	vst v0  }
0x2f: {  	[tilespmem:s1+$0x2840] =	vst v0  }
0x30: {  	[tilespmem:s1+$0x2850] =	vst v0  }
0x31: {  	[tilespmem:s1+$0x2860] =	vst v0;
	s1 =	sshra.s32 s28, $0x2;
	s28 =	sadd.s32 $0x200, s28  }
0x32: {  	[tilespmem:s1+$0x2870] =	vst v0  }
0x33: {  	[tilespmem:s1+$0x2800] =	vst v0  }
0x34: {  	[tilespmem:s1+$0x2810] =	vst v0  }
0x35: {  	[tilespmem:s1+$0x2820] =	vst v0  }
0x36: {  	[tilespmem:s1+$0x2830] =	vst v0  }
0x37: {  	[tilespmem:s1+$0x2840] =	vst v0  }
0x38: {  	[tilespmem:s1+$0x2850] =	vst v0  }
0x39: {  	[tilespmem:s1+$0x2860] =	vst v0  }
0x3a: {  	[spmem:s6] =	stream.linear.scatter [tilespmem:s14], [sflag:$0x5], $0x4000, $0x38;
	[tilespmem:$0x1E800] =	vst v63  }
0x3b: {  	_ =	swait.ge [sflag:s15], $0x4000  }
0x3c: {  	[sflag:s15] =	ssyncset.done $0x0  }
0x3d: {  	[sflag:s15] =	ssyncadd.s32 $0xFFFFC000  }
0x3e: {  	[spmem:s10] =	stream.linear.scatter [tilespmem:s14], [sflag:$0x5], $0x4000, $0x38;
	[tilespmem:$0x1E800] =	vst v63  }
0x3f: {  	_ =	swait.ge [sflag:s15], $0x4000  }
0x40: {  	[sflag:s15] =	ssyncset.done $0x0  }
0x41: {  	[sflag:s15] =	ssyncadd.s32 $0xFFFFC000  }
0x42: {  	[spmem:s11] =	stream.linear.scatter [tilespmem:s14], [sflag:$0x5], $0x4000, $0x38;
	[tilespmem:$0x1E800] =	vst v63  }
0x43: {  	_ =	swait.ge [sflag:s15], $0x4000  }
0x44: {  	[sflag:s15] =	ssyncset.done $0x0  }
0x45: {  	[sflag:s15] =	ssyncadd.s32 $0xFFFFC000  }
0x46: {  	[spmem:s12] =	stream.linear.scatter [tilespmem:s14], [sflag:$0x5], $0x4000, $0x38;
	[tilespmem:$0x1E800] =	vst v63  }
0x47: {  	_ =	swait.ge [sflag:s15], $0x4000  }
0x48: {  	[sflag:s15] =	ssyncset.done $0x0  }
0x49: {  	[sflag:s15] =	ssyncadd.s32 $0xFFFFC000  }
0x4a: {  	[spmem:s13] =	stream.linear.scatter [tilespmem:s14], [sflag:$0x5], $0x4000, $0x38;
	[tilespmem:$0x1E800] =	vst v63  }
0x4b: {  	_ =	swait.ge [sflag:s15], $0x4000  }
0x4c: {  	[sflag:s15] =	ssyncset.done $0x0  }
0x4d: {  	[sflag:s15] =	ssyncadd.s32 $0xFFFFC000  }
0x4e: {  	[bflag:$0x0] =	sbarrier.arrive $0xFFFF  }
0x4f: {  	[tilespmem:s4], [sflag:$0x5] =	stream.linear.gather [hbm4b:s5+s4], $0x2800, $0x38;
	[tilespmem:$0x1E800] =	vst v63  }
0x50: {  	_ =	swait.ge [sflag:s15], $0x2800  }
0x51: {  	[sflag:s15] =	ssyncset.done $0x0  }
0x52: {  	[sflag:s15] =	ssyncadd.s32 $0xFFFFD800  }
0x53: {  	[tilespmem:s14], [sflag:$0x1] =	stream.indirect.gather [hbm4b:s0+s16], $0x80, s4, s16, $0xb8;
	[tilespmem:$0x1E800] =	vst v63  }
0x54: {  	_ = 	snop  }
0x55: {  	[tilespmem:s18], [sflag:$0x2] =	stream.indirect.gather [hbm4b:s0+s16], $0x80, s17, s16, $0xb8;
	[tilespmem:$0x1E800] =	vst v63  }
0x56: {  	_ =	swait.ge [sflag:s19], $0x4000  }
0x57: {  	[sflag:s19] =	ssyncset.done $0x0  }
0x58: {  	s7 =	simm.s32 $0x80;
	[sflag:s19] =	ssyncadd.s32 $0xFFFFC000  }
0x59: {  	[spmem:s3] =	stream.indirect.scatter.add.f32 [tilespmem:s14], [sflag:$0x3], $0x80, s7, s16, $0xb8;
	[tilespmem:$0x1E800] =	vst v63  }
0x5a: {  	_ =	swait.ge [sflag:s20], $0x4000  }
0x5b: {  	[sflag:s20] =	ssyncset.done $0x0  }
0x5c: {  	s7 =	simm.s32 $0x180;
	[sflag:s20] =	ssyncadd.s32 $0xFFFFC000  }
0x5d: {  	[spmem:s3] =	stream.indirect.scatter.add.f32 [tilespmem:s18], [sflag:$0x4], $0x80, s7, s16, $0xb8;
	[tilespmem:$0x1E800] =	vst v63  }
0x5e: {  	_ =	swait.ge [sflag:s21], $0x4000  }
0x5f: {  	[sflag:s21] =	ssyncset.done $0x0  }
0x60: {  	s7 =	simm.s32 $0x200;
	[sflag:s21] =	ssyncadd.s32 $0xFFFFC000  }
0x61: {  	[tilespmem:s14], [sflag:$0x1] =	stream.indirect.gather [hbm4b:s0+s16], $0x80, s7, s16, $0xb8;
	[tilespmem:$0x1E800] =	vst v63  }
0x62: {  	_ =	swait.ge [sflag:s22], $0x4000  }
0x63: {  	[sflag:s22] =	ssyncset.done $0x0  }
0x64: {  	s1 =	simm.s32 $0xFFFF7000;
	s28 =	simm.s32 $0x300;
	[sflag:s22] =	ssyncadd.s32 $0xFFFFC000  }
.LBB2_4:
0x65: {  	[tilespmem:s18], [sflag:$0x2] =	stream.indirect.gather [hbm4b:s0+s16], $0x80, s28, s16, $0xb8;
	[tilespmem:$0x1E800] =	vst v63  }
0x66: {  	s28 =	smov.u32 s1  }
0x67: {  	p1 =	sne.s32 s1, $0xFFFFF800;
	s1 =	sadd.s32 $0x800, s1;
	_ =	swait.ge [sflag:s19], $0x4000  }
0x68: {  	s28 =	sshra.s32 s28, $0x2;
	[sflag:s19] =	ssyncset.done $0x0  }
0x69: {  	s7 =	sadd.s32 $0x2680, s28;
	[sflag:s19] =	ssyncadd.s32 $0xFFFFC000  }
0x6a: {  	[spmem:s3] =	stream.indirect.scatter.add.f32 [tilespmem:s14], [sflag:$0x3], $0x80, s7, s16, $0xb8;
	[tilespmem:$0x1E800] =	vst v63  }
0x6b: {  	_ =	swait.ge [sflag:s20], $0x4000  }
0x6c: {  	[sflag:s20] =	ssyncset.done $0x0  }
0x6d: {  	s7 =	sadd.s32 $0x2780, s28;
	[sflag:s20] =	ssyncadd.s32 $0xFFFFC000  }
0x6e: {  	[spmem:s3] =	stream.indirect.scatter.add.f32 [tilespmem:s18], [sflag:$0x4], $0x80, s7, s16, $0xb8;
	[tilespmem:$0x1E800] =	vst v63  }
0x6f: {  	_ =	swait.ge [sflag:s21], $0x4000  }
0x70: {  	[sflag:s21] =	ssyncset.done $0x0  }
.Ltmp3:
0x71: {  	s7 =	sadd.s32 $0x2800, s28;
	[sflag:s21] =	ssyncadd.s32 $0xFFFFC000;
	(pc) =	sbr.rel @p1 .LBB2_4-.Ltmp3, $4  }
0x72: {  	[tilespmem:s14], [sflag:$0x1] =	stream.indirect.gather [hbm4b:s0+s16], $0x80, s7, s16, $0xb8;
	[tilespmem:$0x1E800] =	vst v63  }
0x73: {  	_ =	swait.ge [sflag:s22], $0x4000  }
0x74: {  	[sflag:s22] =	ssyncset.done $0x0  }
0x75: {  	s28 =	sadd.s32 $0x2900, s28;
	[sflag:s22] =	ssyncadd.s32 $0xFFFFC000  }
0x76: {  	[tilespmem:s18], [sflag:$0x2] =	stream.indirect.gather [hbm4b:s0+s16], $0x80, s28, s16, $0xb8;
	[tilespmem:$0x1E800] =	vst v63  }
0x77: {  	_ =	swait.ge [sflag:s19], $0x4000  }
0x78: {  	[sflag:s19] =	ssyncset.done $0x0  }
0x79: {  	[sflag:s19] =	ssyncadd.s32 $0xFFFFC000  }
0x7a: {  	[spmem:s3] =	stream.indirect.scatter.add.f32 [tilespmem:s14], [sflag:$0x3], $0x80, s24, s16, $0xb8;
	[tilespmem:$0x1E800] =	vst v63  }
0x7b: {  	_ =	swait.ge [sflag:s20], $0x4000  }
0x7c: {  	[sflag:s20] =	ssyncset.done $0x0  }
0x7d: {  	[sflag:s20] =	ssyncadd.s32 $0xFFFFC000  }
0x7e: {  	[spmem:s3] =	stream.indirect.scatter.add.f32 [tilespmem:s18], [sflag:$0x4], $0x80, s26, s16, $0xb8;
	[tilespmem:$0x1E800] =	vst v63  }
0x7f: {  	_ =	swait.ge [sflag:s21], $0x4000  }
.Ltmp4:
0x80: {  	[sflag:s21] =	ssyncset.done $0x0;
	(pc) =	sbr.rel @p0 .LBB2_9-.Ltmp4, $4  }
0x81: {  	[sflag:s21] =	ssyncadd.s32 $0xFFFFC000  }
0x82: {  	_ =	swait.ge [sflag:s22], $0x4000  }
0x83: {  	[sflag:s22] =	ssyncset.done $0x0  }
0x84: {  	[sflag:s22] =	ssyncadd.s32 $0xFFFFC000  }
0x85: {  	[tilespmem:s4], [sflag:$0x5] =	stream.linear.gather [hbm4b:s8+s4], $0x2800, $0x38;
	[tilespmem:$0x1E800] =	vst v63  }
0x86: {  	_ =	swait.ge [sflag:s15], $0x2800  }
0x87: {  	[sflag:s15] =	ssyncset.done $0x0  }
0x88: {  	[sflag:s15] =	ssyncadd.s32 $0xFFFFD800  }
0x89: {  	[tilespmem:s14], [sflag:$0x1] =	stream.indirect.gather [hbm4b:s0+s16], $0x80, s17, s16, $0xb8;
	[tilespmem:$0x1E800] =	vst v63  }
0x8a: {  	_ =	swait.ge [sflag:s19], $0x4000  }
0x8b: {  	[sflag:s19] =	ssyncset.done $0x0  }
0x8c: {  	s1 =	simm.s32 $0x180;
	[sflag:s19] =	ssyncadd.s32 $0xFFFFC000  }
0x8d: {  	[spmem:s3] =	stream.indirect.scatter.add.f32 [tilespmem:s14], [sflag:$0x5], $0x80, s1, s16, $0xb8;
	[tilespmem:$0x1E800] =	vst v63  }
0x8e: {  	_ =	swait.ge [sflag:s15], $0x4000  }
0x8f: {  	[sflag:s15] =	ssyncset.done $0x0  }
0x90: {  	[sflag:s15] =	ssyncadd.s32 $0xFFFFC000  }
0x91: {  	[tilespmem:s14], [sflag:$0x1] =	stream.indirect.gather [hbm4b:s0+s16], $0x80, s29, s16, $0xb8;
	[tilespmem:$0x1E800] =	vst v63  }
0x92: {  	_ = 	snop  }
0x93: {  	[tilespmem:s18], [sflag:$0x2] =	stream.indirect.gather [hbm4b:s0+s16], $0x80, s30, s16, $0xb8;
	[tilespmem:$0x1E800] =	vst v63  }
0x94: {  	_ =	swait.ge [sflag:s19], $0x4000  }
0x95: {  	[sflag:s19] =	ssyncset.done $0x0  }
0x96: {  	s7 =	simm.s32 $0x280;
	[sflag:s19] =	ssyncadd.s32 $0xFFFFC000  }
0x97: {  	[spmem:s3] =	stream.indirect.scatter.add.f32 [tilespmem:s14], [sflag:$0x3], $0x80, s7, s16, $0xb8;
	[tilespmem:$0x1E800] =	vst v63  }
0x98: {  	_ =	swait.ge [sflag:s20], $0x4000  }
0x99: {  	[sflag:s20] =	ssyncset.done $0x0  }
0x9a: {  	s7 =	simm.s32 $0x380;
	[sflag:s20] =	ssyncadd.s32 $0xFFFFC000  }
0x9b: {  	[spmem:s3] =	stream.indirect.scatter.add.f32 [tilespmem:s18], [sflag:$0x4], $0x80, s7, s16, $0xb8;
	[tilespmem:$0x1E800] =	vst v63  }
0x9c: {  	_ =	swait.ge [sflag:s21], $0x4000  }
0x9d: {  	[sflag:s21] =	ssyncset.done $0x0  }
0x9e: {  	s7 =	simm.s32 $0x400;
	[sflag:s21] =	ssyncadd.s32 $0xFFFFC000  }
0x9f: {  	[tilespmem:s14], [sflag:$0x1] =	stream.indirect.gather [hbm4b:s0+s16], $0x80, s7, s16, $0xb8;
	[tilespmem:$0x1E800] =	vst v63  }
0xa0: {  	_ =	swait.ge [sflag:s22], $0x4000  }
0xa1: {  	[sflag:s22] =	ssyncset.done $0x0  }
0xa2: {  	s28 =	simm.s32 $0x500;
	s1 =	simm.s32 $0xFFFF7800;
	[sflag:s22] =	ssyncadd.s32 $0xFFFFC000  }
.LBB2_7:
0xa3: {  	[tilespmem:s18], [sflag:$0x2] =	stream.indirect.gather [hbm4b:s0+s16], $0x80, s28, s16, $0xb8;
	[tilespmem:$0x1E800] =	vst v63  }
0xa4: {  	s7 =	smov.u32 s1  }
0xa5: {  	p1 =	seq.s32 s1, $0xFFFFF800;
	s1 =	sadd.s32 $0x800, s1;
	_ =	swait.ge [sflag:s19], $0x4000  }
0xa6: {  	s7 =	sshra.s32 s7, $0x2;
	[sflag:s19] =	ssyncset.done $0x0  }
0xa7: {  	s28 =	sadd.s32 $0x2680, s7;
	[sflag:s19] =	ssyncadd.s32 $0xFFFFC000  }
0xa8: {  	[spmem:s3] =	stream.indirect.scatter.add.f32 [tilespmem:s14], [sflag:$0x3], $0x80, s28, s16, $0xb8;
	[tilespmem:$0x1E800] =	vst v63  }
0xa9: {  	_ =	swait.ge [sflag:s20], $0x4000  }
0xaa: {  	[sflag:s20] =	ssyncset.done $0x0  }
0xab: {  	s28 =	sadd.s32 $0x2780, s7;
	[sflag:s20] =	ssyncadd.s32 $0xFFFFC000  }
0xac: {  	[spmem:s3] =	stream.indirect.scatter.add.f32 [tilespmem:s18], [sflag:$0x4], $0x80, s28, s16, $0xb8;
	[tilespmem:$0x1E800] =	vst v63  }
0xad: {  	_ =	swait.ge [sflag:s21], $0x4000  }
0xae: {  	[sflag:s21] =	ssyncset.done $0x0  }
.Ltmp5:
0xaf: {  	s28 =	sadd.s32 $0x2800, s7;
	[sflag:s21] =	ssyncadd.s32 $0xFFFFC000;
	(pc) =	sbr.rel @!p1 .LBB2_7-.Ltmp5, $4  }
0xb0: {  	[tilespmem:s14], [sflag:$0x1] =	stream.indirect.gather [hbm4b:s0+s16], $0x80, s28, s16, $0xb8;
	[tilespmem:$0x1E800] =	vst v63  }
0xb1: {  	_ =	swait.ge [sflag:s22], $0x4000  }
0xb2: {  	[sflag:s22] =	ssyncset.done $0x0  }
0xb3: {  	s28 =	sadd.s32 $0x2900, s7;
	[sflag:s22] =	ssyncadd.s32 $0xFFFFC000  }
.Ltmp6:
0xb4: {  	(pc) =	sbr.rel .LBB2_12-.Ltmp6, $2  }
0xb5: {  	_ =	sdelay $0x2  }
0xb6: {  	[tilespmem:s18], [sflag:$0x2] =	stream.indirect.gather [hbm4b:s0+s16], $0x80, s28, s16, $0xb8;
	[tilespmem:$0x1E800] =	vst v63  }
.LBB2_9:
0xb7: {  	s1 =	rddreg [dreg:$0x5]  }
0xb8: {  	[tilespmem:s4], [sflag:$0x5] =	stream.linear.gather [hbm4b:s1+s4], $0x2800, $0x38;
	[tilespmem:$0x1E800] =	vst v63  }
0xb9: {  	_ =	swait.ge [sflag:s15], $0x2800  }
0xba: {  	[sflag:s15] =	ssyncset.done $0x0  }
0xbb: {  	[sflag:s15] =	ssyncadd.s32 $0xFFFFD800  }
0xbc: {  	[tilespmem:s14], [sflag:$0x1] =	stream.indirect.gather [hbm4b:s0+s16], $0x80, s29, s16, $0xb8;
	[tilespmem:$0x1E800] =	vst v63  }
0xbd: {  	_ = 	snop  }
0xbe: {  	[tilespmem:s18], [sflag:$0x2] =	stream.indirect.gather [hbm4b:s0+s16], $0x80, s30, s16, $0xb8;
	[tilespmem:$0x1E800] =	vst v63  }
0xbf: {  	_ =	swait.ge [sflag:s19], $0x4000  }
0xc0: {  	[sflag:s19] =	ssyncset.done $0x0  }
0xc1: {  	s7 =	simm.s32 $0x280;
	[sflag:s19] =	ssyncadd.s32 $0xFFFFC000  }
0xc2: {  	[spmem:s3] =	stream.indirect.scatter.add.f32 [tilespmem:s14], [sflag:$0x3], $0x80, s7, s16, $0xb8;
	[tilespmem:$0x1E800] =	vst v63  }
0xc3: {  	_ =	swait.ge [sflag:s20], $0x4000  }
0xc4: {  	[sflag:s20] =	ssyncset.done $0x0  }
0xc5: {  	s7 =	simm.s32 $0x380;
	[sflag:s20] =	ssyncadd.s32 $0xFFFFC000  }
0xc6: {  	[spmem:s3] =	stream.indirect.scatter.add.f32 [tilespmem:s18], [sflag:$0x4], $0x80, s7, s16, $0xb8;
	[tilespmem:$0x1E800] =	vst v63  }
0xc7: {  	_ =	swait.ge [sflag:s21], $0x4000  }
0xc8: {  	[sflag:s21] =	ssyncset.done $0x0  }
0xc9: {  	s7 =	simm.s32 $0x400;
	[sflag:s21] =	ssyncadd.s32 $0xFFFFC000  }
0xca: {  	[tilespmem:s14], [sflag:$0x1] =	stream.indirect.gather [hbm4b:s0+s16], $0x80, s7, s16, $0xb8;
	[tilespmem:$0x1E800] =	vst v63  }
0xcb: {  	_ =	swait.ge [sflag:s22], $0x4000  }
0xcc: {  	[sflag:s22] =	ssyncset.done $0x0  }
0xcd: {  	s28 =	simm.s32 $0x500;
	s1 =	simm.s32 $0xFFFF7800;
	[sflag:s22] =	ssyncadd.s32 $0xFFFFC000  }
.LBB2_10:
0xce: {  	[tilespmem:s18], [sflag:$0x2] =	stream.indirect.gather [hbm4b:s0+s16], $0x80, s28, s16, $0xb8;
	[tilespmem:$0x1E800] =	vst v63  }
0xcf: {  	s7 =	smov.u32 s1  }
0xd0: {  	p1 =	sne.s32 s1, $0xFFFFF800;
	s1 =	sadd.s32 $0x800, s1;
	_ =	swait.ge [sflag:s19], $0x4000  }
0xd1: {  	s7 =	sshra.s32 s7, $0x2;
	[sflag:s19] =	ssyncset.done $0x0  }
0xd2: {  	s28 =	sadd.s32 $0x2680, s7;
	[sflag:s19] =	ssyncadd.s32 $0xFFFFC000  }
0xd3: {  	[spmem:s3] =	stream.indirect.scatter.add.f32 [tilespmem:s14], [sflag:$0x3], $0x80, s28, s16, $0xb8;
	[tilespmem:$0x1E800] =	vst v63  }
0xd4: {  	_ =	swait.ge [sflag:s20], $0x4000  }
0xd5: {  	[sflag:s20] =	ssyncset.done $0x0  }
0xd6: {  	s28 =	sadd.s32 $0x2780, s7;
	[sflag:s20] =	ssyncadd.s32 $0xFFFFC000  }
0xd7: {  	[spmem:s3] =	stream.indirect.scatter.add.f32 [tilespmem:s18], [sflag:$0x4], $0x80, s28, s16, $0xb8;
	[tilespmem:$0x1E800] =	vst v63  }
0xd8: {  	_ =	swait.ge [sflag:s21], $0x4000  }
0xd9: {  	[sflag:s21] =	ssyncset.done $0x0  }
.Ltmp7:
0xda: {  	s28 =	sadd.s32 $0x2800, s7;
	[sflag:s21] =	ssyncadd.s32 $0xFFFFC000;
	(pc) =	sbr.rel @p1 .LBB2_10-.Ltmp7, $4  }
0xdb: {  	[tilespmem:s14], [sflag:$0x1] =	stream.indirect.gather [hbm4b:s0+s16], $0x80, s28, s16, $0xb8;
	[tilespmem:$0x1E800] =	vst v63  }
0xdc: {  	_ =	swait.ge [sflag:s22], $0x4000  }
0xdd: {  	[sflag:s22] =	ssyncset.done $0x0  }
0xde: {  	s28 =	sadd.s32 $0x2900, s7;
	[sflag:s22] =	ssyncadd.s32 $0xFFFFC000  }
.Ltmp8:
0xdf: {  	_ = 	snop;
	(pc) =	sbr.rel .LBB2_11-.Ltmp8, $1  }
0xe0: {  	_ =	sdelay $0x3  }
.LBB2_13:
0xe1: {  	_ =	sfence.sel $0x180000  }
0xe2: {  	[bflag:$0x0] =	sbarrier.arrive $0xFFFF  }
0xe3: {  	_ =	strace $0x9000004A  }
0xe4: {  	[bflag:$0x2] =	sbarrier.arrive $0xFFFF  }
0xe5: {  	p0 =	sne.s32 s2, $0x0;
	s0 =	rddreg [dreg:$0x4]  }
0xe6: {  	s0 =	sadd.s32 @!p0 $0x100000, s0  }
0xe7: {  	[sflag:s0] =	ssyncadd.tile.s32 @!p0 $0x1;
	_ =	shalt  }
.Lfunc_end2:
_tile_overlayer_lowered:
.L_overlay_start_2:
0xe8: {  	(tag) =	ssettag $0x2  }
0xe9: {  	s0 =	rddreg [dreg:$0x0];
	s2 =	stileid.u32  }
0xea: {  	s1 =	rddreg [dreg:$0x1];
	p0 =	sne.s32 s2, $0x0  }
0xeb: {  	s3 =	rddreg [dreg:$0x2];
	[bflag:$0x3] =	sbarrier.arrive $0xFFFF;
	s2 =	simm.s32 @!p0 $0x1C05  }
0xec: {  	[timem:s3], [sflag:s2] =	dma.local @!p0 [hbm:s0], s1  }
0xed: {  	s0 =	simm.s32 @!p0 $0x5  }
0xee: {  	_ =	swait.ge @!p0 [sflag:s0], s1  }
0xef: {  	s1 =	ssub.s32 @!p0 $0x0, s1;
	[sflag:s0] =	ssyncset.done @!p0 $0x0  }
0xf0: {  	[sflag:s0] =	ssyncadd.s32 @!p0 s1  }
0xf1: {  	[bflag:$0x3] =	sbarrier.arrive $0xFFFF  }
0xf2: {  	_ =	shalt  }

</sc_bundles>
